<compile_context>
chip_gen: v7x
topology: tpu7x:2x2x1
jax: 0.10.2.dev20260603
libtpu: 0.0.44.dev20260713+nightly
codegen_flags: <defaults>
</compile_context>

<pallas_src>
import functools

import jax
import jax.numpy as jnp
from jax import lax
from jax.experimental import pallas as pl
from jax.experimental.pallas import tpu as pltpu
from jax.experimental.pallas import tpu_sc as plsc

B, N, C = 2, 16384, 16
NPOINT = 1024
RADIUS_LIST = [0.1, 0.2, 0.4]
NSAMPLE_LIST = [16, 32, 64]
NROW = 128
NS_TOTAL = sum(NSAMPLE_LIST)
IDX_TOTAL = B * NPOINT * NS_TOTAL
NWORK = 32
ROWS_PER_W = IDX_TOTAL // NWORK
GCHUNK = 128
NCHUNK = ROWS_PER_W // GCHUNK
DPAD = 32



def _fps_body(xt_ref, xs_ref, idx_ref, nxyz_ref, dist_ref):
    row = lax.broadcasted_iota(jnp.int32, (NROW, 128), 0)
    col = lax.broadcasted_iota(jnp.int32, (NROW, 128), 1)
    iota = row * 128 + col
    dist_ref[...] = jnp.full((B, NROW, 128), 1e10, dtype=jnp.float32)

    def body(i, fars):
        ds = []
        for b in range(B):
            far = fars[b]
            idx_ref[b, i] = far
            x = xt_ref[b, 0]
            y = xt_ref[b, 1]
            z = xt_ref[b, 2]
            cx = xs_ref[b, 0, far]
            cy = xs_ref[b, 1, far]
            cz = xs_ref[b, 2, far]
            nxyz_ref[0, b, i] = cx
            nxyz_ref[1, b, i] = cy
            nxyz_ref[2, b, i] = cz
            dx = x - cx
            dy = y - cy
            dz = z - cz
            ds.append(dx * dx + dy * dy + dz * dz)
        dmin = jnp.minimum(dist_ref[...], jnp.stack(ds))
        dist_ref[...] = dmin
        m = jnp.max(dmin, axis=(1, 2), keepdims=True)
        key = jnp.where(dmin == m, iota[None], jnp.int32(2**31 - 1))
        far_n = jnp.min(key, axis=(1, 2))
        return tuple(far_n[b] for b in range(B))

    lax.fori_loop(0, NPOINT, body, tuple(jnp.int32(0) for _ in range(B)))


def _fps(xyz):
    xyzT = xyz.transpose(0, 2, 1)
    xt = xyzT.reshape(B, 3, NROW, 128)
    fps_idx, new_xyz = pl.pallas_call(
        _fps_body,
        out_shape=[
            jax.ShapeDtypeStruct((B, NPOINT), jnp.int32),
            jax.ShapeDtypeStruct((3, B, NPOINT), jnp.float32),
        ],
        in_specs=[pl.BlockSpec(memory_space=pltpu.VMEM),
                  pl.BlockSpec(memory_space=pltpu.SMEM)],
        out_specs=[
            pl.BlockSpec(memory_space=pltpu.SMEM),
            pl.BlockSpec(memory_space=pltpu.SMEM),
        ],
        scratch_shapes=[pltpu.VMEM((B, NROW, 128), jnp.float32)],
    )(xt, xyzT)
    return fps_idx, new_xyz.transpose(1, 2, 0)



def _sc_gather(xpad, idx_flat):
    mesh = plsc.VectorSubcoreMesh(core_axis_name="c", subcore_axis_name="s")

    @functools.partial(
        pl.kernel,
        mesh=mesh,
        out_type=jax.ShapeDtypeStruct((IDX_TOTAL, DPAD), jnp.float32),
        scratch_types=[
            pltpu.VMEM((2 * GCHUNK,), jnp.int32),
            pltpu.VMEM((2 * GCHUNK, DPAD), jnp.float32),
            pltpu.SemaphoreType.DMA,
        ],
        compiler_params=pltpu.CompilerParams(
            use_tc_tiling_on_sc=False, needs_layout_passes=False),
    )
    def gk(xpad_hbm, idx_hbm, out_hbm, idx_v, rows_v, sem):
        wid = lax.axis_index("s") * 2 + lax.axis_index("c")
        base = wid * ROWS_PER_W
        pltpu.sync_copy(idx_hbm.at[pl.ds(base, GCHUNK)],
                        idx_v.at[pl.ds(0, GCHUNK)])
        pltpu.async_copy(xpad_hbm.at[idx_v.at[pl.ds(0, GCHUNK)]],
                         rows_v.at[pl.ds(0, GCHUNK)], sem)

        def chunk(t, carry):
            p = (t % 2) * GCHUNK
            pn = ((t + 1) % 2) * GCHUNK
            off = base + t * GCHUNK
            pltpu.make_async_copy(xpad_hbm.at[pl.ds(0, GCHUNK)],
                                  rows_v.at[pl.ds(0, GCHUNK)], sem).wait()
            noff = base + jnp.minimum(t + 1, NCHUNK - 1) * GCHUNK
            pltpu.sync_copy(idx_hbm.at[pl.ds(noff, GCHUNK)],
                            idx_v.at[pl.ds(pn, GCHUNK)])
            pltpu.async_copy(xpad_hbm.at[idx_v.at[pl.ds(pn, GCHUNK)]],
                             rows_v.at[pl.ds(pn, GCHUNK)], sem)
            pltpu.sync_copy(rows_v.at[pl.ds(p, GCHUNK)],
                            out_hbm.at[pl.ds(off, GCHUNK)])
            return carry

        lax.fori_loop(0, NCHUNK, chunk, jnp.int32(0))
        pltpu.make_async_copy(xpad_hbm.at[pl.ds(0, GCHUNK)],
                              rows_v.at[pl.ds(0, GCHUNK)], sem).wait()

    return gk(xpad, idx_flat)



GD = 128


def _sqd_body(nx_ref, xt_ref, d_ref):
    nx = nx_ref[0]
    xt = xt_ref[0]
    aa = jnp.sum(nx * nx, axis=1, keepdims=True)
    bb = (xt[0] * xt[0] + xt[1] * xt[1] + xt[2] * xt[2])[None, :]
    ab = jnp.dot(nx, xt, preferred_element_type=jnp.float32)
    d_ref[0] = aa + bb - 2.0 * ab


def _sqdists(new_xyz, xyzT):
    return pl.pallas_call(
        _sqd_body,
        grid=(B, NPOINT // GD),
        out_shape=jax.ShapeDtypeStruct((B, NPOINT, N), jnp.float32),
        in_specs=[
            pl.BlockSpec((1, GD, 3), lambda b, j: (b, j, 0)),
            pl.BlockSpec((1, 3, N), lambda b, j: (b, 0, 0)),
        ],
        out_specs=pl.BlockSpec((1, GD, N), lambda b, j: (b, j, 0)),
    )(new_xyz, xyzT)



CPW = B * NPOINT // NWORK
STRIDES = [ns + 64 for ns in NSAMPLE_LIST]
NCHK = N // 16


def _sc_ballquery(d_flat):
    mesh = plsc.VectorSubcoreMesh(core_axis_name="c", subcore_axis_name="s")
    r2s = [r * r for r in RADIUS_LIST]

    @functools.partial(
        pl.kernel,
        mesh=mesh,
        out_type=[
            jax.ShapeDtypeStruct((B * NPOINT * ns,), jnp.int32)
            for ns in NSAMPLE_LIST
        ],
        scratch_types=[
            pltpu.VMEM((3 * N,), jnp.float32),
            pltpu.VMEM((CPW * STRIDES[0] + 16,), jnp.int32),
            pltpu.VMEM((CPW * STRIDES[1] + 16,), jnp.int32),
            pltpu.VMEM((CPW * STRIDES[2] + 16,), jnp.int32),
            pltpu.SemaphoreType.DMA,
        ],
        compiler_params=pltpu.CompilerParams(
            use_tc_tiling_on_sc=False, needs_layout_passes=False),
    )
    def bq(d_hbm, o0_hbm, o1_hbm, o2_hbm, dbuf, buf0, buf1, buf2, sem):
        wid = lax.axis_index("s") * 2 + lax.axis_index("c")
        b = wid // 16
        k16 = wid % 16
        base_pt = b * N
        base_row = b * NPOINT + k16
        lane = lax.broadcasted_iota(jnp.int32, (16,), 0)
        bufs = (buf0, buf1, buf2)
        outs = (o0_hbm, o1_hbm, o2_hbm)
        pltpu.async_copy(d_hbm.at[pl.ds(base_row * N, N)],
                         dbuf.at[pl.ds(0, N)], sem)
        pltpu.async_copy(d_hbm.at[pl.ds((base_row + 16) * N, N)],
                         dbuf.at[pl.ds(N, N)], sem)

        def per_centroid(ci, carry):
            grow = base_row + ci * 16
            pltpu.make_async_copy(d_hbm.at[pl.ds(0, N)],
                                  dbuf.at[pl.ds(0, N)], sem).wait()
            nxt = jnp.minimum(ci + 2, CPW - 1)
            pltpu.async_copy(
                d_hbm.at[pl.ds((base_row + nxt * 16) * N, N)],
                dbuf.at[pl.ds(((ci + 2) % 3) * N, N)], sem)
            pbase = (ci % 3) * N

            for r in range(3):
                ns = NSAMPLE_LIST[r]
                stride = STRIDES[r]
                pos0 = ci * stride
                trash = jnp.int32(CPW * stride)
                r2 = r2s[r]

                def cond(st):
                    t, o = st
                    return (t < NCHK) & (o < ns)

                def body(st):
                    t, o = st
                    off = t * 16
                    ms, cnts = [], []
                    for u in range(4):
                        d = dbuf[pl.ds(pbase + off + 16 * u, 16)]
                        m = d <= r2
                        ms.append(m)
                        cnts.append(plsc.all_reduce_population_count(m)[0])
                    ob = o
                    for u in range(4):
                        pc = plsc.cumsum(ms[u].astype(jnp.int32))
                        tg = jnp.where(ms[u], pos0 + ob + (pc - 1), trash)
                        plsc.store_scatter(bufs[r], [tg],
                                           lane + (off + 16 * u + base_pt))
                        ob = ob + cnts[u]
                    return (t + 4, ob)

                z32 = jnp.int32(0)
                _, o = lax.while_loop(cond, body, (z32, z32))

                cnt = jnp.minimum(o, ns)
                first = bufs[r][pl.ds(pos0, 16)][0]
                for k in range(ns // 16):
                    sl = pl.ds(pos0 + k * 16, 16)
                    v = bufs[r][sl]
                    vfix = jnp.where(lane + (k * 16) < cnt, v, first)
                    bufs[r][sl] = vfix
                pltpu.sync_copy(
                    bufs[r].at[pl.ds(pos0, ns)],
                    outs[r].at[pl.ds(grow * ns, ns)])
            return carry

        lax.fori_loop(0, CPW, per_centroid, jnp.int32(0))
        pltpu.make_async_copy(d_hbm.at[pl.ds(0, N)],
                              dbuf.at[pl.ds(0, N)], sem).wait()
        pltpu.make_async_copy(d_hbm.at[pl.ds(0, N)],
                              dbuf.at[pl.ds(0, N)], sem).wait()

    return bq(d_flat)



def _mlp_body(xg_ref, cpad_ref, w1_ref, b1_ref, w2_ref, b2_ref, out_ref):
    gm, ns, dpad = xg_ref.shape
    x = xg_ref[...] - cpad_ref[...][:, None, :]
    x2 = x.reshape(gm * ns, dpad)
    h = jnp.maximum(jnp.dot(x2, w1_ref[...],
                            preferred_element_type=jnp.float32)
                    + b1_ref[...], 0.0)
    h2 = jnp.maximum(jnp.dot(h, w2_ref[...],
                             preferred_element_type=jnp.float32)
                     + b2_ref[...], 0.0)
    out_ref[...] = jnp.max(h2.reshape(gm, ns, 64), axis=1)


def _mlp_max(xg_s, cpad, w1pad, b1, w2, b2, ns):
    gm = 8192 // ns
    grid = (B * NPOINT // gm,)
    return pl.pallas_call(
        _mlp_body,
        grid=grid,
        out_shape=jax.ShapeDtypeStruct((B * NPOINT, 64), jnp.float32),
        in_specs=[
            pl.BlockSpec((gm, ns, DPAD), lambda j: (j, 0, 0)),
            pl.BlockSpec((gm, DPAD), lambda j: (j, 0)),
            pl.BlockSpec((DPAD, 32), lambda j: (0, 0)),
            pl.BlockSpec((1, 32), lambda j: (0, 0)),
            pl.BlockSpec((32, 64), lambda j: (0, 0)),
            pl.BlockSpec((1, 64), lambda j: (0, 0)),
        ],
        out_specs=pl.BlockSpec((gm, 64), lambda j: (j, 0)),
    )(xg_s, cpad, w1pad, b1.reshape(1, 32), w2, b2.reshape(1, 64))


def kernel(xyz, points, W0_0, b0_0, W0_1, b0_1, W1_0, b1_0, W1_1, b1_1,
           W2_0, b2_0, W2_1, b2_1):
    params = [[(W0_0, b0_0), (W0_1, b0_1)], [(W1_0, b1_0), (W1_1, b1_1)],
              [(W2_0, b2_0), (W2_1, b2_1)]]
    fps_idx, new_xyz = _fps(xyz)

    zcols = jnp.zeros((B * N, DPAD - C - 3), jnp.float32)
    xpad = jnp.concatenate(
        [points.reshape(B * N, C), xyz.reshape(B * N, 3), zcols], axis=1)
    czero = jnp.zeros((B * NPOINT, C), jnp.float32)
    cpad = jnp.concatenate(
        [czero, new_xyz.reshape(B * NPOINT, 3),
         jnp.zeros((B * NPOINT, DPAD - C - 3), jnp.float32)], axis=1)

    sq = _sqdists(new_xyz, xyz.transpose(0, 2, 1))
    idx_parts = _sc_ballquery(sq.reshape(-1))
    idx_flat = jnp.concatenate(idx_parts)

    xg = _sc_gather(xpad, idx_flat)

    outs = []
    off = 0
    for i in range(3):
        ns = NSAMPLE_LIST[i]
        rows = B * NPOINT * ns
        xs = xg[off:off + rows].reshape(B * NPOINT, ns, DPAD)
        off += rows
        (W1, b1), (W2, b2) = params[i]
        w1pad = jnp.concatenate(
            [W1, jnp.zeros((DPAD - C - 3, W1.shape[1]), jnp.float32)], axis=0)
        o = _mlp_max(xs, cpad, w1pad, b1, W2, b2, ns)
        outs.append(o.reshape(B, NPOINT, 64))
    new_points_concat = jnp.concatenate(outs, axis=-1)
    return (new_xyz, new_points_concat)

# --- scband reference (transcript-rebuilt; emitter-appended) ---
"""Pipeline reference for scband-pointnet-sa-msg-24378234372449 (READ-ONLY COPY).

The authoritative reference and input builder live on the scoring server;
editing this copy changes nothing except your own understanding.
"""

import jax, jax.numpy as jnp
import numpy as np

B, N, C = 2, 16384, 16
NPOINT = 1024
RADIUS_LIST = [0.1, 0.2, 0.4]
NSAMPLE_LIST = [16, 32, 64]


def farthest_point_sample(npoint, xyz):
    b, n, _ = xyz.shape
    def body(i, state):
        centroids, distance, farthest = state
        centroids = centroids.at[:, i].set(farthest)
        centroid = jnp.take_along_axis(xyz, farthest[:, None, None], axis=1)
        dist = jnp.sum((xyz - centroid) ** 2, axis=-1)
        distance = jnp.minimum(distance, dist)
        farthest = jnp.argmax(distance, axis=-1).astype(jnp.int32)
        return (centroids, distance, farthest)
    centroids = jnp.zeros((b, npoint), dtype=jnp.int32)
    distance = jnp.full((b, n), 1e10, dtype=jnp.float32)
    farthest = jnp.zeros((b,), dtype=jnp.int32)
    centroids, _, _ = jax.lax.fori_loop(0, npoint, body, (centroids, distance, farthest))
    return centroids


def square_distance(a, b):
    aa = jnp.sum(a * a, axis=-1)[:, :, None]
    bb = jnp.sum(b * b, axis=-1)[:, None, :]
    ab = jnp.einsum('bsd,bnd->bsn', a, b)
    return aa + bb - 2.0 * ab


def query_ball_point(radius, nsample, xyz, new_xyz):
    n = xyz.shape[1]
    sqrdists = square_distance(new_xyz, xyz)
    mask = sqrdists <= radius ** 2
    idx = jnp.where(mask, jnp.arange(n, dtype=jnp.int32)[None, None, :], n)
    idx = jnp.sort(idx, axis=-1)[:, :, :nsample]
    first = idx[:, :, :1]
    idx = jnp.where(idx == n, first, idx)
    pts_cnt = jnp.minimum(jnp.sum(mask.astype(jnp.int32), axis=-1), nsample)
    return idx, pts_cnt


def group_point(points, idx):
    return jax.vmap(lambda p, i: p[i])(points, idx)


def setup_inputs(seed: int = 0):
    key = jax.random.key(seed)
    k = jax.random.split(key, 20)
    inp = {}
    inp['xyz'] = jax.random.uniform(k[0], (B, N, 3), dtype=jnp.float32)
    inp['points'] = jax.random.normal(k[1], (B, N, C), dtype=jnp.float32)
    mlp = [[32, 64], [32, 64], [32, 64]]
    kk = 2
    for i in range(3):
        in_c = C + 3
        for j, out_c in enumerate(mlp[i]):
            inp['W%d_%d' % (i, j)] = jax.random.normal(k[kk], (in_c, out_c), dtype=jnp.float32) * 0.1
            inp['b%d_%d' % (i, j)] = jnp.zeros((out_c,), dtype=jnp.float32)
            in_c = out_c
            kk += 1
    return inp


def reference(xyz, points, W0_0, b0_0, W0_1, b0_1, W1_0, b1_0, W1_1, b1_1, W2_0, b2_0, W2_1, b2_1):
    params = [[(W0_0, b0_0), (W0_1, b0_1)], [(W1_0, b1_0), (W1_1, b1_1)], [(W2_0, b2_0), (W2_1, b2_1)]]
    fps_idx = farthest_point_sample(NPOINT, jax.lax.stop_gradient(xyz))
    new_xyz = jnp.take_along_axis(xyz, fps_idx[:, :, None], axis=1)
    new_points_list = []
    for i in range(3):
        radius = RADIUS_LIST[i]
        nsample = NSAMPLE_LIST[i]
        idx, pts_cnt = query_ball_point(radius, nsample, xyz, new_xyz)
        grouped_xyz = group_point(xyz, idx)
        grouped_xyz = grouped_xyz - new_xyz[:, :, None, :]
        grouped_points = group_point(points, idx)
        grouped_points = jnp.concatenate([grouped_points, grouped_xyz], axis=-1)
        for (W, b) in params[i]:
            grouped_points = jax.nn.relu(grouped_points @ W + b)
        new_points = jnp.max(grouped_points, axis=2)
        new_points_list.append(new_points)
    new_points_concat = jnp.concatenate(new_points_list, axis=-1)
    return (new_xyz, new_points_concat)

if __name__ == "__main__":
    import jax
    _d = setup_inputs()
    print(jax.jit(kernel)(*tuple(_d.values())))

</pallas_src>

<mosaic_0001>
#map = affine_map<(d0, d1) -> (0)>
module attributes {stable_mosaic.version = 14 : i64} {
  func.func @bq(%arg0: i32, %arg1: i32, %arg2: memref<33554432xf32, #tpu.memory_space<hbm>>, %arg3: memref<32768xi32, #tpu.memory_space<hbm>>, %arg4: memref<65536xi32, #tpu.memory_space<hbm>>, %arg5: memref<131072xi32, #tpu.memory_space<hbm>>, %arg6: memref<49152xf32, #tpu.memory_space<vmem>>, %arg7: memref<5136xi32, #tpu.memory_space<vmem>>, %arg8: memref<6160xi32, #tpu.memory_space<vmem>>, %arg9: memref<8208xi32, #tpu.memory_space<vmem>>, %arg10: memref<!tpu.dma_semaphore, #tpu.memory_space<semaphore_mem>>) attributes {dimension_semantics = [#tpu.dimension_semantics<core_parallel>, #tpu.dimension_semantics<subcore_parallel>], iteration_bounds = array<i64: 2, 16>, scalar_prefetch = 0 : i64, scratch_operands = 5 : i64, tpu.core_type = #tpu.core_type<sc_vector_subcore>, window_params = [{transform_indices = #map}, {transform_indices = #map}, {transform_indices = #map}, {transform_indices = #map}]} {
    %mul3A = arith.constant 2 : i32
    %mul3A_0 = arith.muli %arg1, %mul3A : i32
    %add3A = arith.addi %mul3A_0, %arg0 : i32
    %jit3A = arith.constant 16 : i32
    %div3A = arith.divsi %add3A, %jit3A : i32
    %sign3A = arith.constant 0 : i32
    %sign3A_1 = arith.cmpi sgt, %add3A, %sign3A : i32
    %sign3A_2 = arith.extui %sign3A_1 : i1 to i32
    %sign3A_3 = arith.constant 0 : i32
    %sign3A_4 = arith.cmpi slt, %add3A, %sign3A_3 : i32
    %sign3A_5 = arith.extui %sign3A_4 : i1 to i32
    %sign3A_6 = arith.subi %sign3A_2, %sign3A_5 : i32
    %sign3A_7 = arith.constant 0 : i32
    %sign3A_8 = arith.cmpi sgt, %jit3A, %sign3A_7 : i32
    %sign3A_9 = arith.extui %sign3A_8 : i1 to i32
    %sign3A_10 = arith.constant 0 : i32
    %sign3A_11 = arith.cmpi slt, %jit3A, %sign3A_10 : i32
    %sign3A_12 = arith.extui %sign3A_11 : i1 to i32
    %sign3A_13 = arith.subi %sign3A_9, %sign3A_12 : i32
    %ne3A = arith.cmpi ne, %sign3A_6, %sign3A_13 : i32
    %rem3A = arith.remsi %add3A, %jit3A : i32
    %ne3A_14 = arith.constant 0 : i32
    %ne3A_15 = arith.cmpi ne, %rem3A, %ne3A_14 : i32
    %and3A = arith.andi %ne3A, %ne3A_15 : i1
    %sub3A = arith.constant 1 : i32
    %sub3A_16 = arith.subi %div3A, %sub3A : i32
    %select_n3A = arith.select %and3A, %sub3A_16, %div3A : i32
    %jit3A_17 = arith.constant 16 : i32
    %eq3A = arith.constant 0 : i32
    %eq3A_18 = arith.cmpi eq, %jit3A_17, %eq3A : i32
    %jit3A_19 = arith.constant 1 : i32
    %select_n3A_20 = arith.select %eq3A_18, %jit3A_19, %jit3A_17 : i32
    %rem3A_21 = arith.remsi %add3A, %select_n3A_20 : i32
    %ne3A_22 = arith.constant 0 : i32
    %ne3A_23 = arith.cmpi ne, %rem3A_21, %ne3A_22 : i32
    %lt3A = arith.constant 0 : i32
    %lt3A_24 = arith.cmpi slt, %rem3A_21, %lt3A : i32
    %lt3A_25 = arith.constant 0 : i32
    %lt3A_26 = arith.cmpi slt, %select_n3A_20, %lt3A_25 : i32
    %ne3A_27 = arith.xori %lt3A_24, %lt3A_26 : i1
    %and3A_28 = arith.andi %ne3A_27, %ne3A_23 : i1
    %add3A_29 = arith.addi %rem3A_21, %select_n3A_20 : i32
    %select_n3A_30 = arith.select %and3A_28, %add3A_29, %rem3A_21 : i32
    %mul3A_31 = arith.constant 16384 : i32
    %mul3A_32 = arith.muli %select_n3A, %mul3A_31 : i32
    %mul3A_33 = arith.constant 1024 : i32
    %mul3A_34 = arith.muli %select_n3A, %mul3A_33 : i32
    %add3A_35 = arith.addi %mul3A_34, %select_n3A_30 : i32
    %iota3A = tpu.iota {dimensions = array<i32: 0>} : vector<16xi32>
    %mul3A_36 = arith.constant 16384 : i32
    %mul3A_37 = arith.muli %add3A_35, %mul3A_36 : i32
    %dma_start3A = arith.constant 0 : i32
    %dma_start3A_38 = tpu.memref_slice %arg6[%dma_start3A] : memref<49152xf32, #tpu.memory_space<vmem>> -> memref<16384xf32, #tpu.memory_space<vmem>>
    %dma_start3A_39 = tpu.memref_slice %arg2[%mul3A_37] : memref<33554432xf32, #tpu.memory_space<hbm>> -> memref<16384xf32, #tpu.memory_space<hbm>>
    %dma_start3A_40 = arith.constant 0 : i32
    %dma_start3A_41 = tpu.memref_slice %arg6[%dma_start3A_40] : memref<49152xf32, #tpu.memory_space<vmem>> -> memref<16384xf32, #tpu.memory_space<vmem>>
    %dma_start3A_42 = tpu.memref_slice %arg2[%mul3A_37] : memref<33554432xf32, #tpu.memory_space<hbm>> -> memref<16384xf32, #tpu.memory_space<hbm>>
    tpu.enqueue_dma source(%dma_start3A_42 : memref<16384xf32, #tpu.memory_space<hbm>>) target(%dma_start3A_41 : memref<16384xf32, #tpu.memory_space<vmem>>) target_semaphore(%arg10 : memref<!tpu.dma_semaphore, #tpu.memory_space<semaphore_mem>>)
    %add3A_43 = arith.constant 16 : i32
    %add3A_44 = arith.addi %add3A_35, %add3A_43 : i32
    %mul3A_45 = arith.constant 16384 : i32
    %mul3A_46 = arith.muli %add3A_44, %mul3A_45 : i32
    %dma_start3A_47 = arith.constant 16384 : i32
    %dma_start3A_48 = tpu.memref_slice %arg6[%dma_start3A_47] : memref<49152xf32, #tpu.memory_space<vmem>> -> memref<16384xf32, #tpu.memory_space<vmem>>
    %dma_start3A_49 = tpu.memref_slice %arg2[%mul3A_46] : memref<33554432xf32, #tpu.memory_space<hbm>> -> memref<16384xf32, #tpu.memory_space<hbm>>
    %dma_start3A_50 = arith.constant 16384 : i32
    %dma_start3A_51 = tpu.memref_slice %arg6[%dma_start3A_50] : memref<49152xf32, #tpu.memory_space<vmem>> -> memref<16384xf32, #tpu.memory_space<vmem>>
    %dma_start3A_52 = tpu.memref_slice %arg2[%mul3A_46] : memref<33554432xf32, #tpu.memory_space<hbm>> -> memref<16384xf32, #tpu.memory_space<hbm>>
    tpu.enqueue_dma source(%dma_start3A_52 : memref<16384xf32, #tpu.memory_space<hbm>>) target(%dma_start3A_51 : memref<16384xf32, #tpu.memory_space<vmem>>) target_semaphore(%arg10 : memref<!tpu.dma_semaphore, #tpu.memory_space<semaphore_mem>>)
    %scan3A = arith.constant 0 : i32
    %scan3A_53 = arith.constant 0 : i32
    %scan3A_54 = arith.constant 64 : i32
    %scan3A_55 = arith.addi %scan3A_53, %scan3A_54 : i32
    %scan3A_56 = arith.constant 1 : i32
    scf.for %scan3A_73 = %scan3A_53 to %scan3A_55 step %scan3A_56  : i32 {
      %mul3A_74 = arith.constant 16 : i32
      %mul3A_75 = arith.muli %scan3A_73, %mul3A_74 : i32
      %add3A_76 = arith.addi %add3A_35, %mul3A_75 : i32
      %dma_wait3A_77 = arith.constant 0 : i32
      %dma_wait3A_78 = tpu.memref_slice %arg6[%dma_wait3A_77] : memref<49152xf32, #tpu.memory_space<vmem>> -> memref<16384xf32, #tpu.memory_space<vmem>>
      %dma_wait3A_79 = arith.constant 0 : i32
      %dma_wait3A_80 = tpu.memref_slice %arg2[%dma_wait3A_79] : memref<33554432xf32, #tpu.memory_space<hbm>> -> memref<16384xf32, #tpu.memory_space<hbm>>
      %dma_wait3A_81 = arith.constant 0 : i32
      %dma_wait3A_82 = tpu.memref_slice %arg6[%dma_wait3A_81] : memref<49152xf32, #tpu.memory_space<vmem>> -> memref<16384xf32, #tpu.memory_space<vmem>>
      %dma_wait3A_83 = arith.constant 0 : i32
      %dma_wait3A_84 = tpu.memref_slice %arg2[%dma_wait3A_83] : memref<33554432xf32, #tpu.memory_space<hbm>> -> memref<16384xf32, #tpu.memory_space<hbm>>
      tpu.wait_dma2 semaphore(%arg10 : memref<!tpu.dma_semaphore, #tpu.memory_space<semaphore_mem>>) src(%dma_wait3A_84 : memref<16384xf32, #tpu.memory_space<hbm>>) dst(%dma_wait3A_82 : memref<16384xf32, #tpu.memory_space<vmem>>)
      %add3A_85 = arith.constant 2 : i32
      %add3A_86 = arith.addi %scan3A_73, %add3A_85 : i32
      %min3A = arith.constant 63 : i32
      %min3A_87 = arith.minsi %add3A_86, %min3A : i32
      %mul3A_88 = arith.constant 16 : i32
      %mul3A_89 = arith.muli %min3A_87, %mul3A_88 : i32
      %add3A_90 = arith.addi %add3A_35, %mul3A_89 : i32
      %mul3A_91 = arith.constant 16384 : i32
      %mul3A_92 = arith.muli %add3A_90, %mul3A_91 : i32
      %add3A_93 = arith.constant 2 : i32
      %add3A_94 = arith.addi %scan3A_73, %add3A_93 : i32
      %jit3A_95 = arith.constant 3 : i32
      %eq3A_96 = arith.constant 0 : i32
      %eq3A_97 = arith.cmpi eq, %jit3A_95, %eq3A_96 : i32
      %jit3A_98 = arith.constant 1 : i32
      %select_n3A_99 = arith.select %eq3A_97, %jit3A_98, %jit3A_95 : i32
      %rem3A_100 = arith.remsi %add3A_94, %select_n3A_99 : i32
      %ne3A_101 = arith.constant 0 : i32
      %ne3A_102 = arith.cmpi ne, %rem3A_100, %ne3A_101 : i32
      %lt3A_103 = arith.constant 0 : i32
      %lt3A_104 = arith.cmpi slt, %rem3A_100, %lt3A_103 : i32
      %lt3A_105 = arith.constant 0 : i32
      %lt3A_106 = arith.cmpi slt, %select_n3A_99, %lt3A_105 : i32
      %ne3A_107 = arith.xori %lt3A_104, %lt3A_106 : i1
      %and3A_108 = arith.andi %ne3A_107, %ne3A_102 : i1
      %add3A_109 = arith.addi %rem3A_100, %select_n3A_99 : i32
      %select_n3A_110 = arith.select %and3A_108, %add3A_109, %rem3A_100 : i32
      %mul3A_111 = arith.constant 16384 : i32
      %mul3A_112 = arith.muli %select_n3A_110, %mul3A_111 : i32
      %dma_start3A_113 = tpu.memref_slice %arg6[%mul3A_112] : memref<49152xf32, #tpu.memory_space<vmem>> -> memref<16384xf32, #tpu.memory_space<vmem>>
      %dma_start3A_114 = tpu.memref_slice %arg2[%mul3A_92] : memref<33554432xf32, #tpu.memory_space<hbm>> -> memref<16384xf32, #tpu.memory_space<hbm>>
      %dma_start3A_115 = tpu.memref_slice %arg6[%mul3A_112] : memref<49152xf32, #tpu.memory_space<vmem>> -> memref<16384xf32, #tpu.memory_space<vmem>>
      %dma_start3A_116 = tpu.memref_slice %arg2[%mul3A_92] : memref<33554432xf32, #tpu.memory_space<hbm>> -> memref<16384xf32, #tpu.memory_space<hbm>>
      tpu.enqueue_dma source(%dma_start3A_116 : memref<16384xf32, #tpu.memory_space<hbm>>) target(%dma_start3A_115 : memref<16384xf32, #tpu.memory_space<vmem>>) target_semaphore(%arg10 : memref<!tpu.dma_semaphore, #tpu.memory_space<semaphore_mem>>)
      %jit3A_117 = arith.constant 3 : i32
      %eq3A_118 = arith.constant 0 : i32
      %eq3A_119 = arith.cmpi eq, %jit3A_117, %eq3A_118 : i32
      %jit3A_120 = arith.constant 1 : i32
      %select_n3A_121 = arith.select %eq3A_119, %jit3A_120, %jit3A_117 : i32
      %rem3A_122 = arith.remsi %scan3A_73, %select_n3A_121 : i32
      %ne3A_123 = arith.constant 0 : i32
      %ne3A_124 = arith.cmpi ne, %rem3A_122, %ne3A_123 : i32
      %lt3A_125 = arith.constant 0 : i32
      %lt3A_126 = arith.cmpi slt, %rem3A_122, %lt3A_125 : i32
      %lt3A_127 = arith.constant 0 : i32
      %lt3A_128 = arith.cmpi slt, %select_n3A_121, %lt3A_127 : i32
      %ne3A_129 = arith.xori %lt3A_126, %lt3A_128 : i1
      %and3A_130 = arith.andi %ne3A_129, %ne3A_124 : i1
      %add3A_131 = arith.addi %rem3A_122, %select_n3A_121 : i32
      %select_n3A_132 = arith.select %and3A_130, %add3A_131, %rem3A_122 : i32
      %mul3A_133 = arith.constant 16384 : i32
      %mul3A_134 = arith.muli %select_n3A_132, %mul3A_133 : i32
      %mul3A_135 = arith.constant 80 : i32
      %mul3A_136 = arith.muli %scan3A_73, %mul3A_135 : i32
      %while3A = arith.constant 5120 : i32
      %while3A_137 = arith.constant 0 : i32
      %while3A_138 = arith.constant 0 : i32
      %while3A_139:2 = scf.while (%while3A_262 = %while3A_137, %while3A_263 = %while3A_138) : (i32, i32) -> (i32, i32) {
        %lt3A_264 = arith.constant 1024 : i32
        %lt3A_265 = arith.cmpi slt, %while3A_262, %lt3A_264 : i32
        %lt3A_266 = arith.constant 16 : i32
        %lt3A_267 = arith.cmpi slt, %while3A_263, %lt3A_266 : i32
        %and3A_268 = arith.andi %lt3A_265, %lt3A_267 : i1
        scf.condition(%and3A_268) %while3A_262, %while3A_263 : i32, i32
      } do {
      ^bb0(%while3A_262: i32, %while3A_263: i32):
        %mul3A_264 = arith.constant 16 : i32
        %mul3A_265 = arith.muli %while3A_262, %mul3A_264 : i32
        %add3A_266 = arith.addi %mul3A_134, %mul3A_265 : i32
        %add3A_267 = arith.constant 0 : i32
        %add3A_268 = arith.addi %add3A_266, %add3A_267 : i32
        %get3A_269 = arith.index_cast %add3A_268 : i32 to index
        %get3A_270 = tpu.vector_load %arg6[%get3A_269] {strides = array<i32>} : memref<49152xf32, #tpu.memory_space<vmem>>, vector<16xf32>,
        %le3A = arith.constant 0.00999999977 : f32
        %le3A_271 = vector.broadcast %le3A : f32 to vector<16xf32>
        %le3A_272 = arith.cmpf ole, %get3A_270, %le3A_271 : vector<16xf32>
        %all_reduce_population_count3A = tpu.all_reduce %le3A_272 {dim = 0 : i64, kind = #tpu.reduction_kind<sum>} : vector<16xi1> -> vector<16xi32>
        %slice3A_273 = vector.extract_strided_slice %all_reduce_population_count3A {offsets = [0], sizes = [1], strides = [1]} : vector<16xi32> to vector<1xi32>
        %squeeze3A_274 = vector.extract %slice3A_273[0] : i32 from vector<1xi32>
        %add3A_275 = arith.addi %mul3A_134, %mul3A_265 : i32
        %add3A_276 = arith.constant 16 : i32
        %add3A_277 = arith.addi %add3A_275, %add3A_276 : i32
        %get3A_278 = arith.index_cast %add3A_277 : i32 to index
        %get3A_279 = tpu.vector_load %arg6[%get3A_278] {strides = array<i32>} : memref<49152xf32, #tpu.memory_space<vmem>>, vector<16xf32>,
        %le3A_280 = arith.constant 0.00999999977 : f32
        %le3A_281 = vector.broadcast %le3A_280 : f32 to vector<16xf32>
        %le3A_282 = arith.cmpf ole, %get3A_279, %le3A_281 : vector<16xf32>
        %all_reduce_population_count3A_283 = tpu.all_reduce %le3A_282 {dim = 0 : i64, kind = #tpu.reduction_kind<sum>} : vector<16xi1> -> vector<16xi32>
        %slice3A_284 = vector.extract_strided_slice %all_reduce_population_count3A_283 {offsets = [0], sizes = [1], strides = [1]} : vector<16xi32> to vector<1xi32>
        %squeeze3A_285 = vector.extract %slice3A_284[0] : i32 from vector<1xi32>
        %add3A_286 = arith.addi %mul3A_134, %mul3A_265 : i32
        %add3A_287 = arith.constant 32 : i32
        %add3A_288 = arith.addi %add3A_286, %add3A_287 : i32
        %get3A_289 = arith.index_cast %add3A_288 : i32 to index
        %get3A_290 = tpu.vector_load %arg6[%get3A_289] {strides = array<i32>} : memref<49152xf32, #tpu.memory_space<vmem>>, vector<16xf32>,
        %le3A_291 = arith.constant 0.00999999977 : f32
        %le3A_292 = vector.broadcast %le3A_291 : f32 to vector<16xf32>
        %le3A_293 = arith.cmpf ole, %get3A_290, %le3A_292 : vector<16xf32>
        %all_reduce_population_count3A_294 = tpu.all_reduce %le3A_293 {dim = 0 : i64, kind = #tpu.reduction_kind<sum>} : vector<16xi1> -> vector<16xi32>
        %slice3A_295 = vector.extract_strided_slice %all_reduce_population_count3A_294 {offsets = [0], sizes = [1], strides = [1]} : vector<16xi32> to vector<1xi32>
        %squeeze3A_296 = vector.extract %slice3A_295[0] : i32 from vector<1xi32>
        %add3A_297 = arith.addi %mul3A_134, %mul3A_265 : i32
        %add3A_298 = arith.constant 48 : i32
        %add3A_299 = arith.addi %add3A_297, %add3A_298 : i32
        %get3A_300 = arith.index_cast %add3A_299 : i32 to index
        %get3A_301 = tpu.vector_load %arg6[%get3A_300] {strides = array<i32>} : memref<49152xf32, #tpu.memory_space<vmem>>, vector<16xf32>,
        %le3A_302 = arith.constant 0.00999999977 : f32
        %le3A_303 = vector.broadcast %le3A_302 : f32 to vector<16xf32>
        %le3A_304 = arith.cmpf ole, %get3A_301, %le3A_303 : vector<16xf32>
        %all_reduce_population_count3A_305 = tpu.all_reduce %le3A_304 {dim = 0 : i64, kind = #tpu.reduction_kind<sum>} : vector<16xi1> -> vector<16xi32>
        %slice3A_306 = vector.extract_strided_slice %all_reduce_population_count3A_305 {offsets = [0], sizes = [1], strides = [1]} : vector<16xi32> to vector<1xi32>
        %squeeze3A_307 = vector.extract %slice3A_306[0] : i32 from vector<1xi32>
        %convert_element_type3A = arith.extui %le3A_272 : vector<16xi1> to vector<16xi32>
        %broadcast_in_dim3A_308 = arith.constant true
        %broadcast_in_dim3A_309 = vector.broadcast %broadcast_in_dim3A_308 : i1 to vector<16xi1>
        %masked_cumsum3A = tpu.scan <sum>, %convert_element_type3A masked %broadcast_in_dim3A_309 : vector<16xi32>, vector<16xi1> -> vector<16xi32>
        %add3A_310 = arith.addi %mul3A_136, %while3A_263 : i32
        %sub3A_311 = arith.constant 1 : i32
        %sub3A_312 = vector.broadcast %sub3A_311 : i32 to vector<16xi32>
        %sub3A_313 = arith.subi %masked_cumsum3A, %sub3A_312 : vector<16xi32>
        %add3A_314 = vector.broadcast %add3A_310 : i32 to vector<16xi32>
        %add3A_315 = arith.addi %add3A_314, %sub3A_313 : vector<16xi32>
        %broadcast_in_dim3A_316 = vector.broadcast %while3A : i32 to vector<16xi32>
        %select_n3A_317 = arith.select %le3A_272, %add3A_315, %broadcast_in_dim3A_316 : vector<16xi1>, vector<16xi32>
        %add3A_318 = arith.constant 0 : i32
        %add3A_319 = arith.addi %mul3A_265, %add3A_318 : i32
        %add3A_320 = arith.addi %add3A_319, %mul3A_32 : i32
        %add3A_321 = vector.broadcast %add3A_320 : i32 to vector<16xi32>
        %add3A_322 = arith.addi %iota3A, %add3A_321 : vector<16xi32>
        tpu.vector_store_idx %arg7[%select_n3A_317], %add3A_322 : memref<5136xi32, #tpu.memory_space<vmem>>[vector<16xi32>], vector<16xi32>,
        %add3A_323 = arith.addi %while3A_263, %squeeze3A_274 : i32
        %convert_element_type3A_324 = arith.extui %le3A_282 : vector<16xi1> to vector<16xi32>
        %broadcast_in_dim3A_325 = arith.constant true
        %broadcast_in_dim3A_326 = vector.broadcast %broadcast_in_dim3A_325 : i1 to vector<16xi1>
        %masked_cumsum3A_327 = tpu.scan <sum>, %convert_element_type3A_324 masked %broadcast_in_dim3A_326 : vector<16xi32>, vector<16xi1> -> vector<16xi32>
        %add3A_328 = arith.addi %mul3A_136, %add3A_323 : i32
        %sub3A_329 = arith.constant 1 : i32
        %sub3A_330 = vector.broadcast %sub3A_329 : i32 to vector<16xi32>
        %sub3A_331 = arith.subi %masked_cumsum3A_327, %sub3A_330 : vector<16xi32>
        %add3A_332 = vector.broadcast %add3A_328 : i32 to vector<16xi32>
        %add3A_333 = arith.addi %add3A_332, %sub3A_331 : vector<16xi32>
        %broadcast_in_dim3A_334 = vector.broadcast %while3A : i32 to vector<16xi32>
        %select_n3A_335 = arith.select %le3A_282, %add3A_333, %broadcast_in_dim3A_334 : vector<16xi1>, vector<16xi32>
        %add3A_336 = arith.constant 16 : i32
        %add3A_337 = arith.addi %mul3A_265, %add3A_336 : i32
        %add3A_338 = arith.addi %add3A_337, %mul3A_32 : i32
        %add3A_339 = vector.broadcast %add3A_338 : i32 to vector<16xi32>
        %add3A_340 = arith.addi %iota3A, %add3A_339 : vector<16xi32>
        tpu.vector_store_idx %arg7[%select_n3A_335], %add3A_340 : memref<5136xi32, #tpu.memory_space<vmem>>[vector<16xi32>], vector<16xi32>,
        %add3A_341 = arith.addi %add3A_323, %squeeze3A_285 : i32
        %convert_element_type3A_342 = arith.extui %le3A_293 : vector<16xi1> to vector<16xi32>
        %broadcast_in_dim3A_343 = arith.constant true
        %broadcast_in_dim3A_344 = vector.broadcast %broadcast_in_dim3A_343 : i1 to vector<16xi1>
        %masked_cumsum3A_345 = tpu.scan <sum>, %convert_element_type3A_342 masked %broadcast_in_dim3A_344 : vector<16xi32>, vector<16xi1> -> vector<16xi32>
        %add3A_346 = arith.addi %mul3A_136, %add3A_341 : i32
        %sub3A_347 = arith.constant 1 : i32
        %sub3A_348 = vector.broadcast %sub3A_347 : i32 to vector<16xi32>
        %sub3A_349 = arith.subi %masked_cumsum3A_345, %sub3A_348 : vector<16xi32>
        %add3A_350 = vector.broadcast %add3A_346 : i32 to vector<16xi32>
        %add3A_351 = arith.addi %add3A_350, %sub3A_349 : vector<16xi32>
        %broadcast_in_dim3A_352 = vector.broadcast %while3A : i32 to vector<16xi32>
        %select_n3A_353 = arith.select %le3A_293, %add3A_351, %broadcast_in_dim3A_352 : vector<16xi1>, vector<16xi32>
        %add3A_354 = arith.constant 32 : i32
        %add3A_355 = arith.addi %mul3A_265, %add3A_354 : i32
        %add3A_356 = arith.addi %add3A_355, %mul3A_32 : i32
        %add3A_357 = vector.broadcast %add3A_356 : i32 to vector<16xi32>
        %add3A_358 = arith.addi %iota3A, %add3A_357 : vector<16xi32>
        tpu.vector_store_idx %arg7[%select_n3A_353], %add3A_358 : memref<5136xi32, #tpu.memory_space<vmem>>[vector<16xi32>], vector<16xi32>,
        %add3A_359 = arith.addi %add3A_341, %squeeze3A_296 : i32
        %convert_element_type3A_360 = arith.extui %le3A_304 : vector<16xi1> to vector<16xi32>
        %broadcast_in_dim3A_361 = arith.constant true
        %broadcast_in_dim3A_362 = vector.broadcast %broadcast_in_dim3A_361 : i1 to vector<16xi1>
        %masked_cumsum3A_363 = tpu.scan <sum>, %convert_element_type3A_360 masked %broadcast_in_dim3A_362 : vector<16xi32>, vector<16xi1> -> vector<16xi32>
        %add3A_364 = arith.addi %mul3A_136, %add3A_359 : i32
        %sub3A_365 = arith.constant 1 : i32
        %sub3A_366 = vector.broadcast %sub3A_365 : i32 to vector<16xi32>
        %sub3A_367 = arith.subi %masked_cumsum3A_363, %sub3A_366 : vector<16xi32>
        %add3A_368 = vector.broadcast %add3A_364 : i32 to vector<16xi32>
        %add3A_369 = arith.addi %add3A_368, %sub3A_367 : vector<16xi32>
        %broadcast_in_dim3A_370 = vector.broadcast %while3A : i32 to vector<16xi32>
        %select_n3A_371 = arith.select %le3A_304, %add3A_369, %broadcast_in_dim3A_370 : vector<16xi1>, vector<16xi32>
        %add3A_372 = arith.constant 48 : i32
        %add3A_373 = arith.addi %mul3A_265, %add3A_372 : i32
        %add3A_374 = arith.addi %add3A_373, %mul3A_32 : i32
        %add3A_375 = vector.broadcast %add3A_374 : i32 to vector<16xi32>
        %add3A_376 = arith.addi %iota3A, %add3A_375 : vector<16xi32>
        tpu.vector_store_idx %arg7[%select_n3A_371], %add3A_376 : memref<5136xi32, #tpu.memory_space<vmem>>[vector<16xi32>], vector<16xi32>,
        %add3A_377 = arith.addi %add3A_359, %squeeze3A_307 : i32
        %add3A_378 = arith.constant 4 : i32
        %add3A_379 = arith.addi %while3A_262, %add3A_378 : i32
        scf.yield %add3A_379, %add3A_377 : i32, i32
      }
      %min3A_140 = arith.constant 16 : i32
      %min3A_141 = arith.minsi %while3A_139#1, %min3A_140 : i32
      %get3A = arith.index_cast %mul3A_136 : i32 to index
      %get3A_142 = tpu.vector_load %arg7[%get3A] {strides = array<i32>} : memref<5136xi32, #tpu.memory_space<vmem>>, vector<16xi32>,
      %slice3A = vector.extract_strided_slice %get3A_142 {offsets = [0], sizes = [1], strides = [1]} : vector<16xi32> to vector<1xi32>
      %squeeze3A = vector.extract %slice3A[0] : i32 from vector<1xi32>
      %add3A_143 = arith.constant 0 : i32
      %add3A_144 = arith.addi %mul3A_136, %add3A_143 : i32
      %get3A_145 = arith.index_cast %add3A_144 : i32 to index
      %get3A_146 = tpu.vector_load %arg7[%get3A_145] {strides = array<i32>} : memref<5136xi32, #tpu.memory_space<vmem>>, vector<16xi32>,
      %add3A_147 = arith.constant 0 : i32
      %add3A_148 = vector.broadcast %add3A_147 : i32 to vector<16xi32>
      %add3A_149 = arith.addi %iota3A, %add3A_148 : vector<16xi32>
      %lt3A_150 = vector.broadcast %min3A_141 : i32 to vector<16xi32>
      %lt3A_151 = arith.cmpi slt, %add3A_149, %lt3A_150 : vector<16xi32>
      %broadcast_in_dim3A = vector.broadcast %squeeze3A : i32 to vector<16xi32>
      %select_n3A_152 = arith.select %lt3A_151, %get3A_146, %broadcast_in_dim3A : vector<16xi1>, vector<16xi32>
      %swap3A = arith.index_cast %add3A_144 : i32 to index
      %swap3A_153 = tpu.vector_load %arg7[%swap3A] {strides = array<i32>} : memref<5136xi32, #tpu.memory_space<vmem>>, vector<16xi32>,
      tpu.vector_store %arg7[%swap3A], %select_n3A_152 {strides = array<i32>} : memref<5136xi32, #tpu.memory_space<vmem>>, vector<16xi32>,
      %mul3A_154 = arith.constant 16 : i32
      %mul3A_155 = arith.muli %add3A_76, %mul3A_154 : i32
      "tpu.region"() ({
        %run_scoped3A = tpu.sem_alloc : memref<!tpu.dma_semaphore, #tpu.memory_space<semaphore_mem>>
        %dma_start3A_262 = tpu.memref_slice %arg7[%mul3A_136] : memref<5136xi32, #tpu.memory_space<vmem>> -> memref<16xi32, #tpu.memory_space<vmem>>
        %dma_start3A_263 = tpu.memref_slice %arg3[%mul3A_155] : memref<32768xi32, #tpu.memory_space<hbm>> -> memref<16xi32, #tpu.memory_space<hbm>>
        %dma_start3A_264 = tpu.memref_slice %arg3[%mul3A_155] : memref<32768xi32, #tpu.memory_space<hbm>> -> memref<16xi32, #tpu.memory_space<hbm>>
        %dma_start3A_265 = tpu.memref_slice %arg7[%mul3A_136] : memref<5136xi32, #tpu.memory_space<vmem>> -> memref<16xi32, #tpu.memory_space<vmem>>
        tpu.enqueue_dma source(%dma_start3A_265 : memref<16xi32, #tpu.memory_space<vmem>>) target(%dma_start3A_264 : memref<16xi32, #tpu.memory_space<hbm>>) target_semaphore(%run_scoped3A : memref<!tpu.dma_semaphore, #tpu.memory_space<semaphore_mem>>)
        %dma_wait3A_266 = tpu.memref_slice %arg7[%mul3A_136] : memref<5136xi32, #tpu.memory_space<vmem>> -> memref<16xi32, #tpu.memory_space<vmem>>
        %dma_wait3A_267 = tpu.memref_slice %arg3[%mul3A_155] : memref<32768xi32, #tpu.memory_space<hbm>> -> memref<16xi32, #tpu.memory_space<hbm>>
        %dma_wait3A_268 = tpu.memref_slice %arg3[%mul3A_155] : memref<32768xi32, #tpu.memory_space<hbm>> -> memref<16xi32, #tpu.memory_space<hbm>>
        %dma_wait3A_269 = tpu.memref_slice %arg7[%mul3A_136] : memref<5136xi32, #tpu.memory_space<vmem>> -> memref<16xi32, #tpu.memory_space<vmem>>
        tpu.wait_dma2 semaphore(%run_scoped3A : memref<!tpu.dma_semaphore, #tpu.memory_space<semaphore_mem>>) src(%dma_wait3A_269 : memref<16xi32, #tpu.memory_space<vmem>>) dst(%dma_wait3A_268 : memref<16xi32, #tpu.memory_space<hbm>>)
        tpu.yield
      }) : () -> ()
      %mul3A_156 = arith.constant 96 : i32
      %mul3A_157 = arith.muli %scan3A_73, %mul3A_156 : i32
      %while3A_158 = arith.constant 6144 : i32
      %while3A_159 = arith.constant 0 : i32
      %while3A_160 = arith.constant 0 : i32
      %while3A_161:2 = scf.while (%while3A_262 = %while3A_159, %while3A_263 = %while3A_160) : (i32, i32) -> (i32, i32) {
        %lt3A_264 = arith.constant 1024 : i32
        %lt3A_265 = arith.cmpi slt, %while3A_262, %lt3A_264 : i32
        %lt3A_266 = arith.constant 32 : i32
        %lt3A_267 = arith.cmpi slt, %while3A_263, %lt3A_266 : i32
        %and3A_268 = arith.andi %lt3A_265, %lt3A_267 : i1
        scf.condition(%and3A_268) %while3A_262, %while3A_263 : i32, i32
      } do {
      ^bb0(%while3A_262: i32, %while3A_263: i32):
        %mul3A_264 = arith.constant 16 : i32
        %mul3A_265 = arith.muli %while3A_262, %mul3A_264 : i32
        %add3A_266 = arith.addi %mul3A_134, %mul3A_265 : i32
        %add3A_267 = arith.constant 0 : i32
        %add3A_268 = arith.addi %add3A_266, %add3A_267 : i32
        %get3A_269 = arith.index_cast %add3A_268 : i32 to index
        %get3A_270 = tpu.vector_load %arg6[%get3A_269] {strides = array<i32>} : memref<49152xf32, #tpu.memory_space<vmem>>, vector<16xf32>,
        %le3A = arith.constant 4.000000e-02 : f32
        %le3A_271 = vector.broadcast %le3A : f32 to vector<16xf32>
        %le3A_272 = arith.cmpf ole, %get3A_270, %le3A_271 : vector<16xf32>
        %all_reduce_population_count3A = tpu.all_reduce %le3A_272 {dim = 0 : i64, kind = #tpu.reduction_kind<sum>} : vector<16xi1> -> vector<16xi32>
        %slice3A_273 = vector.extract_strided_slice %all_reduce_population_count3A {offsets = [0], sizes = [1], strides = [1]} : vector<16xi32> to vector<1xi32>
        %squeeze3A_274 = vector.extract %slice3A_273[0] : i32 from vector<1xi32>
        %add3A_275 = arith.addi %mul3A_134, %mul3A_265 : i32
        %add3A_276 = arith.constant 16 : i32
        %add3A_277 = arith.addi %add3A_275, %add3A_276 : i32
        %get3A_278 = arith.index_cast %add3A_277 : i32 to index
        %get3A_279 = tpu.vector_load %arg6[%get3A_278] {strides = array<i32>} : memref<49152xf32, #tpu.memory_space<vmem>>, vector<16xf32>,
        %le3A_280 = arith.constant 4.000000e-02 : f32
        %le3A_281 = vector.broadcast %le3A_280 : f32 to vector<16xf32>
        %le3A_282 = arith.cmpf ole, %get3A_279, %le3A_281 : vector<16xf32>
        %all_reduce_population_count3A_283 = tpu.all_reduce %le3A_282 {dim = 0 : i64, kind = #tpu.reduction_kind<sum>} : vector<16xi1> -> vector<16xi32>
        %slice3A_284 = vector.extract_strided_slice %all_reduce_population_count3A_283 {offsets = [0], sizes = [1], strides = [1]} : vector<16xi32> to vector<1xi32>
        %squeeze3A_285 = vector.extract %slice3A_284[0] : i32 from vector<1xi32>
        %add3A_286 = arith.addi %mul3A_134, %mul3A_265 : i32
        %add3A_287 = arith.constant 32 : i32
        %add3A_288 = arith.addi %add3A_286, %add3A_287 : i32
        %get3A_289 = arith.index_cast %add3A_288 : i32 to index
        %get3A_290 = tpu.vector_load %arg6[%get3A_289] {strides = array<i32>} : memref<49152xf32, #tpu.memory_space<vmem>>, vector<16xf32>,
        %le3A_291 = arith.constant 4.000000e-02 : f32
        %le3A_292 = vector.broadcast %le3A_291 : f32 to vector<16xf32>
        %le3A_293 = arith.cmpf ole, %get3A_290, %le3A_292 : vector<16xf32>
        %all_reduce_population_count3A_294 = tpu.all_reduce %le3A_293 {dim = 0 : i64, kind = #tpu.reduction_kind<sum>} : vector<16xi1> -> vector<16xi32>
        %slice3A_295 = vector.extract_strided_slice %all_reduce_population_count3A_294 {offsets = [0], sizes = [1], strides = [1]} : vector<16xi32> to vector<1xi32>
        %squeeze3A_296 = vector.extract %slice3A_295[0] : i32 from vector<1xi32>
        %add3A_297 = arith.addi %mul3A_134, %mul3A_265 : i32
        %add3A_298 = arith.constant 48 : i32
        %add3A_299 = arith.addi %add3A_297, %add3A_298 : i32
        %get3A_300 = arith.index_cast %add3A_299 : i32 to index
        %get3A_301 = tpu.vector_load %arg6[%get3A_300] {strides = array<i32>} : memref<49152xf32, #tpu.memory_space<vmem>>, vector<16xf32>,
        %le3A_302 = arith.constant 4.000000e-02 : f32
        %le3A_303 = vector.broadcast %le3A_302 : f32 to vector<16xf32>
        %le3A_304 = arith.cmpf ole, %get3A_301, %le3A_303 : vector<16xf32>
        %all_reduce_population_count3A_305 = tpu.all_reduce %le3A_304 {dim = 0 : i64, kind = #tpu.reduction_kind<sum>} : vector<16xi1> -> vector<16xi32>
        %slice3A_306 = vector.extract_strided_slice %all_reduce_population_count3A_305 {offsets = [0], sizes = [1], strides = [1]} : vector<16xi32> to vector<1xi32>
        %squeeze3A_307 = vector.extract %slice3A_306[0] : i32 from vector<1xi32>
        %convert_element_type3A = arith.extui %le3A_272 : vector<16xi1> to vector<16xi32>
        %broadcast_in_dim3A_308 = arith.constant true
        %broadcast_in_dim3A_309 = vector.broadcast %broadcast_in_dim3A_308 : i1 to vector<16xi1>
        %masked_cumsum3A = tpu.scan <sum>, %convert_element_type3A masked %broadcast_in_dim3A_309 : vector<16xi32>, vector<16xi1> -> vector<16xi32>
        %add3A_310 = arith.addi %mul3A_157, %while3A_263 : i32
        %sub3A_311 = arith.constant 1 : i32
        %sub3A_312 = vector.broadcast %sub3A_311 : i32 to vector<16xi32>
        %sub3A_313 = arith.subi %masked_cumsum3A, %sub3A_312 : vector<16xi32>
        %add3A_314 = vector.broadcast %add3A_310 : i32 to vector<16xi32>
        %add3A_315 = arith.addi %add3A_314, %sub3A_313 : vector<16xi32>
        %broadcast_in_dim3A_316 = vector.broadcast %while3A_158 : i32 to vector<16xi32>
        %select_n3A_317 = arith.select %le3A_272, %add3A_315, %broadcast_in_dim3A_316 : vector<16xi1>, vector<16xi32>
        %add3A_318 = arith.constant 0 : i32
        %add3A_319 = arith.addi %mul3A_265, %add3A_318 : i32
        %add3A_320 = arith.addi %add3A_319, %mul3A_32 : i32
        %add3A_321 = vector.broadcast %add3A_320 : i32 to vector<16xi32>
        %add3A_322 = arith.addi %iota3A, %add3A_321 : vector<16xi32>
        tpu.vector_store_idx %arg8[%select_n3A_317], %add3A_322 : memref<6160xi32, #tpu.memory_space<vmem>>[vector<16xi32>], vector<16xi32>,
        %add3A_323 = arith.addi %while3A_263, %squeeze3A_274 : i32
        %convert_element_type3A_324 = arith.extui %le3A_282 : vector<16xi1> to vector<16xi32>
        %broadcast_in_dim3A_325 = arith.constant true
        %broadcast_in_dim3A_326 = vector.broadcast %broadcast_in_dim3A_325 : i1 to vector<16xi1>
        %masked_cumsum3A_327 = tpu.scan <sum>, %convert_element_type3A_324 masked %broadcast_in_dim3A_326 : vector<16xi32>, vector<16xi1> -> vector<16xi32>
        %add3A_328 = arith.addi %mul3A_157, %add3A_323 : i32
        %sub3A_329 = arith.constant 1 : i32
        %sub3A_330 = vector.broadcast %sub3A_329 : i32 to vector<16xi32>
        %sub3A_331 = arith.subi %masked_cumsum3A_327, %sub3A_330 : vector<16xi32>
        %add3A_332 = vector.broadcast %add3A_328 : i32 to vector<16xi32>
        %add3A_333 = arith.addi %add3A_332, %sub3A_331 : vector<16xi32>
        %broadcast_in_dim3A_334 = vector.broadcast %while3A_158 : i32 to vector<16xi32>
        %select_n3A_335 = arith.select %le3A_282, %add3A_333, %broadcast_in_dim3A_334 : vector<16xi1>, vector<16xi32>
        %add3A_336 = arith.constant 16 : i32
        %add3A_337 = arith.addi %mul3A_265, %add3A_336 : i32
        %add3A_338 = arith.addi %add3A_337, %mul3A_32 : i32
        %add3A_339 = vector.broadcast %add3A_338 : i32 to vector<16xi32>
        %add3A_340 = arith.addi %iota3A, %add3A_339 : vector<16xi32>
        tpu.vector_store_idx %arg8[%select_n3A_335], %add3A_340 : memref<6160xi32, #tpu.memory_space<vmem>>[vector<16xi32>], vector<16xi32>,
        %add3A_341 = arith.addi %add3A_323, %squeeze3A_285 : i32
        %convert_element_type3A_342 = arith.extui %le3A_293 : vector<16xi1> to vector<16xi32>
        %broadcast_in_dim3A_343 = arith.constant true
        %broadcast_in_dim3A_344 = vector.broadcast %broadcast_in_dim3A_343 : i1 to vector<16xi1>
        %masked_cumsum3A_345 = tpu.scan <sum>, %convert_element_type3A_342 masked %broadcast_in_dim3A_344 : vector<16xi32>, vector<16xi1> -> vector<16xi32>
        %add3A_346 = arith.addi %mul3A_157, %add3A_341 : i32
        %sub3A_347 = arith.constant 1 : i32
        %sub3A_348 = vector.broadcast %sub3A_347 : i32 to vector<16xi32>
        %sub3A_349 = arith.subi %masked_cumsum3A_345, %sub3A_348 : vector<16xi32>
        %add3A_350 = vector.broadcast %add3A_346 : i32 to vector<16xi32>
        %add3A_351 = arith.addi %add3A_350, %sub3A_349 : vector<16xi32>
        %broadcast_in_dim3A_352 = vector.broadcast %while3A_158 : i32 to vector<16xi32>
        %select_n3A_353 = arith.select %le3A_293, %add3A_351, %broadcast_in_dim3A_352 : vector<16xi1>, vector<16xi32>
        %add3A_354 = arith.constant 32 : i32
        %add3A_355 = arith.addi %mul3A_265, %add3A_354 : i32
        %add3A_356 = arith.addi %add3A_355, %mul3A_32 : i32
        %add3A_357 = vector.broadcast %add3A_356 : i32 to vector<16xi32>
        %add3A_358 = arith.addi %iota3A, %add3A_357 : vector<16xi32>
        tpu.vector_store_idx %arg8[%select_n3A_353], %add3A_358 : memref<6160xi32, #tpu.memory_space<vmem>>[vector<16xi32>], vector<16xi32>,
        %add3A_359 = arith.addi %add3A_341, %squeeze3A_296 : i32
        %convert_element_type3A_360 = arith.extui %le3A_304 : vector<16xi1> to vector<16xi32>
        %broadcast_in_dim3A_361 = arith.constant true
        %broadcast_in_dim3A_362 = vector.broadcast %broadcast_in_dim3A_361 : i1 to vector<16xi1>
        %masked_cumsum3A_363 = tpu.scan <sum>, %convert_element_type3A_360 masked %broadcast_in_dim3A_362 : vector<16xi32>, vector<16xi1> -> vector<16xi32>
        %add3A_364 = arith.addi %mul3A_157, %add3A_359 : i32
        %sub3A_365 = arith.constant 1 : i32
        %sub3A_366 = vector.broadcast %sub3A_365 : i32 to vector<16xi32>
        %sub3A_367 = arith.subi %masked_cumsum3A_363, %sub3A_366 : vector<16xi32>
        %add3A_368 = vector.broadcast %add3A_364 : i32 to vector<16xi32>
        %add3A_369 = arith.addi %add3A_368, %sub3A_367 : vector<16xi32>
        %broadcast_in_dim3A_370 = vector.broadcast %while3A_158 : i32 to vector<16xi32>
        %select_n3A_371 = arith.select %le3A_304, %add3A_369, %broadcast_in_dim3A_370 : vector<16xi1>, vector<16xi32>
        %add3A_372 = arith.constant 48 : i32
        %add3A_373 = arith.addi %mul3A_265, %add3A_372 : i32
        %add3A_374 = arith.addi %add3A_373, %mul3A_32 : i32
        %add3A_375 = vector.broadcast %add3A_374 : i32 to vector<16xi32>
        %add3A_376 = arith.addi %iota3A, %add3A_375 : vector<16xi32>
        tpu.vector_store_idx %arg8[%select_n3A_371], %add3A_376 : memref<6160xi32, #tpu.memory_space<vmem>>[vector<16xi32>], vector<16xi32>,
        %add3A_377 = arith.addi %add3A_359, %squeeze3A_307 : i32
        %add3A_378 = arith.constant 4 : i32
        %add3A_379 = arith.addi %while3A_262, %add3A_378 : i32
        scf.yield %add3A_379, %add3A_377 : i32, i32
      }
      %min3A_162 = arith.constant 32 : i32
      %min3A_163 = arith.minsi %while3A_161#1, %min3A_162 : i32
      %get3A_164 = arith.index_cast %mul3A_157 : i32 to index
      %get3A_165 = tpu.vector_load %arg8[%get3A_164] {strides = array<i32>} : memref<6160xi32, #tpu.memory_space<vmem>>, vector<16xi32>,
      %slice3A_166 = vector.extract_strided_slice %get3A_165 {offsets = [0], sizes = [1], strides = [1]} : vector<16xi32> to vector<1xi32>
      %squeeze3A_167 = vector.extract %slice3A_166[0] : i32 from vector<1xi32>
      %add3A_168 = arith.constant 0 : i32
      %add3A_169 = arith.addi %mul3A_157, %add3A_168 : i32
      %get3A_170 = arith.index_cast %add3A_169 : i32 to index
      %get3A_171 = tpu.vector_load %arg8[%get3A_170] {strides = array<i32>} : memref<6160xi32, #tpu.memory_space<vmem>>, vector<16xi32>,
      %add3A_172 = arith.constant 0 : i32
      %add3A_173 = vector.broadcast %add3A_172 : i32 to vector<16xi32>
      %add3A_174 = arith.addi %iota3A, %add3A_173 : vector<16xi32>
      %lt3A_175 = vector.broadcast %min3A_163 : i32 to vector<16xi32>
      %lt3A_176 = arith.cmpi slt, %add3A_174, %lt3A_175 : vector<16xi32>
      %broadcast_in_dim3A_177 = vector.broadcast %squeeze3A_167 : i32 to vector<16xi32>
      %select_n3A_178 = arith.select %lt3A_176, %get3A_171, %broadcast_in_dim3A_177 : vector<16xi1>, vector<16xi32>
      %swap3A_179 = arith.index_cast %add3A_169 : i32 to index
      %swap3A_180 = tpu.vector_load %arg8[%swap3A_179] {strides = array<i32>} : memref<6160xi32, #tpu.memory_space<vmem>>, vector<16xi32>,
      tpu.vector_store %arg8[%swap3A_179], %select_n3A_178 {strides = array<i32>} : memref<6160xi32, #tpu.memory_space<vmem>>, vector<16xi32>,
      %add3A_181 = arith.constant 16 : i32
      %add3A_182 = arith.addi %mul3A_157, %add3A_181 : i32
      %get3A_183 = arith.index_cast %add3A_182 : i32 to index
      %get3A_184 = tpu.vector_load %arg8[%get3A_183] {strides = array<i32>} : memref<6160xi32, #tpu.memory_space<vmem>>, vector<16xi32>,
      %add3A_185 = arith.constant 16 : i32
      %add3A_186 = vector.broadcast %add3A_185 : i32 to vector<16xi32>
      %add3A_187 = arith.addi %iota3A, %add3A_186 : vector<16xi32>
      %lt3A_188 = vector.broadcast %min3A_163 : i32 to vector<16xi32>
      %lt3A_189 = arith.cmpi slt, %add3A_187, %lt3A_188 : vector<16xi32>
      %broadcast_in_dim3A_190 = vector.broadcast %squeeze3A_167 : i32 to vector<16xi32>
      %select_n3A_191 = arith.select %lt3A_189, %get3A_184, %broadcast_in_dim3A_190 : vector<16xi1>, vector<16xi32>
      %swap3A_192 = arith.index_cast %add3A_182 : i32 to index
      %swap3A_193 = tpu.vector_load %arg8[%swap3A_192] {strides = array<i32>} : memref<6160xi32, #tpu.memory_space<vmem>>, vector<16xi32>,
      tpu.vector_store %arg8[%swap3A_192], %select_n3A_191 {strides = array<i32>} : memref<6160xi32, #tpu.memory_space<vmem>>, vector<16xi32>,
      %mul3A_194 = arith.constant 32 : i32
      %mul3A_195 = arith.muli %add3A_76, %mul3A_194 : i32
      "tpu.region"() ({
        %run_scoped3A = tpu.sem_alloc : memref<!tpu.dma_semaphore, #tpu.memory_space<semaphore_mem>>
        %dma_start3A_262 = tpu.memref_slice %arg8[%mul3A_157] : memref<6160xi32, #tpu.memory_space<vmem>> -> memref<32xi32, #tpu.memory_space<vmem>>
        %dma_start3A_263 = tpu.memref_slice %arg4[%mul3A_195] : memref<65536xi32, #tpu.memory_space<hbm>> -> memref<32xi32, #tpu.memory_space<hbm>>
        %dma_start3A_264 = tpu.memref_slice %arg4[%mul3A_195] : memref<65536xi32, #tpu.memory_space<hbm>> -> memref<32xi32, #tpu.memory_space<hbm>>
        %dma_start3A_265 = tpu.memref_slice %arg8[%mul3A_157] : memref<6160xi32, #tpu.memory_space<vmem>> -> memref<32xi32, #tpu.memory_space<vmem>>
        tpu.enqueue_dma source(%dma_start3A_265 : memref<32xi32, #tpu.memory_space<vmem>>) target(%dma_start3A_264 : memref<32xi32, #tpu.memory_space<hbm>>) target_semaphore(%run_scoped3A : memref<!tpu.dma_semaphore, #tpu.memory_space<semaphore_mem>>)
        %dma_wait3A_266 = tpu.memref_slice %arg8[%mul3A_157] : memref<6160xi32, #tpu.memory_space<vmem>> -> memref<32xi32, #tpu.memory_space<vmem>>
        %dma_wait3A_267 = tpu.memref_slice %arg4[%mul3A_195] : memref<65536xi32, #tpu.memory_space<hbm>> -> memref<32xi32, #tpu.memory_space<hbm>>
        %dma_wait3A_268 = tpu.memref_slice %arg4[%mul3A_195] : memref<65536xi32, #tpu.memory_space<hbm>> -> memref<32xi32, #tpu.memory_space<hbm>>
        %dma_wait3A_269 = tpu.memref_slice %arg8[%mul3A_157] : memref<6160xi32, #tpu.memory_space<vmem>> -> memref<32xi32, #tpu.memory_space<vmem>>
        tpu.wait_dma2 semaphore(%run_scoped3A : memref<!tpu.dma_semaphore, #tpu.memory_space<semaphore_mem>>) src(%dma_wait3A_269 : memref<32xi32, #tpu.memory_space<vmem>>) dst(%dma_wait3A_268 : memref<32xi32, #tpu.memory_space<hbm>>)
        tpu.yield
      }) : () -> ()
      %mul3A_196 = arith.constant 128 : i32
      %mul3A_197 = arith.muli %scan3A_73, %mul3A_196 : i32
      %while3A_198 = arith.constant 8192 : i32
      %while3A_199 = arith.constant 0 : i32
      %while3A_200 = arith.constant 0 : i32
      %while3A_201:2 = scf.while (%while3A_262 = %while3A_199, %while3A_263 = %while3A_200) : (i32, i32) -> (i32, i32) {
        %lt3A_264 = arith.constant 1024 : i32
        %lt3A_265 = arith.cmpi slt, %while3A_262, %lt3A_264 : i32
        %lt3A_266 = arith.constant 64 : i32
        %lt3A_267 = arith.cmpi slt, %while3A_263, %lt3A_266 : i32
        %and3A_268 = arith.andi %lt3A_265, %lt3A_267 : i1
        scf.condition(%and3A_268) %while3A_262, %while3A_263 : i32, i32
      } do {
      ^bb0(%while3A_262: i32, %while3A_263: i32):
        %mul3A_264 = arith.constant 16 : i32
        %mul3A_265 = arith.muli %while3A_262, %mul3A_264 : i32
        %add3A_266 = arith.addi %mul3A_134, %mul3A_265 : i32
        %add3A_267 = arith.constant 0 : i32
        %add3A_268 = arith.addi %add3A_266, %add3A_267 : i32
        %get3A_269 = arith.index_cast %add3A_268 : i32 to index
        %get3A_270 = tpu.vector_load %arg6[%get3A_269] {strides = array<i32>} : memref<49152xf32, #tpu.memory_space<vmem>>, vector<16xf32>,
        %le3A = arith.constant 1.600000e-01 : f32
        %le3A_271 = vector.broadcast %le3A : f32 to vector<16xf32>
        %le3A_272 = arith.cmpf ole, %get3A_270, %le3A_271 : vector<16xf32>
        %all_reduce_population_count3A = tpu.all_reduce %le3A_272 {dim = 0 : i64, kind = #tpu.reduction_kind<sum>} : vector<16xi1> -> vector<16xi32>
        %slice3A_273 = vector.extract_strided_slice %all_reduce_population_count3A {offsets = [0], sizes = [1], strides = [1]} : vector<16xi32> to vector<1xi32>
        %squeeze3A_274 = vector.extract %slice3A_273[0] : i32 from vector<1xi32>
        %add3A_275 = arith.addi %mul3A_134, %mul3A_265 : i32
        %add3A_276 = arith.constant 16 : i32
        %add3A_277 = arith.addi %add3A_275, %add3A_276 : i32
        %get3A_278 = arith.index_cast %add3A_277 : i32 to index
        %get3A_279 = tpu.vector_load %arg6[%get3A_278] {strides = array<i32>} : memref<49152xf32, #tpu.memory_space<vmem>>, vector<16xf32>,
        %le3A_280 = arith.constant 1.600000e-01 : f32
        %le3A_281 = vector.broadcast %le3A_280 : f32 to vector<16xf32>
        %le3A_282 = arith.cmpf ole, %get3A_279, %le3A_281 : vector<16xf32>
        %all_reduce_population_count3A_283 = tpu.all_reduce %le3A_282 {dim = 0 : i64, kind = #tpu.reduction_kind<sum>} : vector<16xi1> -> vector<16xi32>
        %slice3A_284 = vector.extract_strided_slice %all_reduce_population_count3A_283 {offsets = [0], sizes = [1], strides = [1]} : vector<16xi32> to vector<1xi32>
        %squeeze3A_285 = vector.extract %slice3A_284[0] : i32 from vector<1xi32>
        %add3A_286 = arith.addi %mul3A_134, %mul3A_265 : i32
        %add3A_287 = arith.constant 32 : i32
        %add3A_288 = arith.addi %add3A_286, %add3A_287 : i32
        %get3A_289 = arith.index_cast %add3A_288 : i32 to index
        %get3A_290 = tpu.vector_load %arg6[%get3A_289] {strides = array<i32>} : memref<49152xf32, #tpu.memory_space<vmem>>, vector<16xf32>,
        %le3A_291 = arith.constant 1.600000e-01 : f32
        %le3A_292 = vector.broadcast %le3A_291 : f32 to vector<16xf32>
        %le3A_293 = arith.cmpf ole, %get3A_290, %le3A_292 : vector<16xf32>
        %all_reduce_population_count3A_294 = tpu.all_reduce %le3A_293 {dim = 0 : i64, kind = #tpu.reduction_kind<sum>} : vector<16xi1> -> vector<16xi32>
        %slice3A_295 = vector.extract_strided_slice %all_reduce_population_count3A_294 {offsets = [0], sizes = [1], strides = [1]} : vector<16xi32> to vector<1xi32>
        %squeeze3A_296 = vector.extract %slice3A_295[0] : i32 from vector<1xi32>
        %add3A_297 = arith.addi %mul3A_134, %mul3A_265 : i32
        %add3A_298 = arith.constant 48 : i32
        %add3A_299 = arith.addi %add3A_297, %add3A_298 : i32
        %get3A_300 = arith.index_cast %add3A_299 : i32 to index
        %get3A_301 = tpu.vector_load %arg6[%get3A_300] {strides = array<i32>} : memref<49152xf32, #tpu.memory_space<vmem>>, vector<16xf32>,
        %le3A_302 = arith.constant 1.600000e-01 : f32
        %le3A_303 = vector.broadcast %le3A_302 : f32 to vector<16xf32>
        %le3A_304 = arith.cmpf ole, %get3A_301, %le3A_303 : vector<16xf32>
        %all_reduce_population_count3A_305 = tpu.all_reduce %le3A_304 {dim = 0 : i64, kind = #tpu.reduction_kind<sum>} : vector<16xi1> -> vector<16xi32>
        %slice3A_306 = vector.extract_strided_slice %all_reduce_population_count3A_305 {offsets = [0], sizes = [1], strides = [1]} : vector<16xi32> to vector<1xi32>
        %squeeze3A_307 = vector.extract %slice3A_306[0] : i32 from vector<1xi32>
        %convert_element_type3A = arith.extui %le3A_272 : vector<16xi1> to vector<16xi32>
        %broadcast_in_dim3A_308 = arith.constant true
        %broadcast_in_dim3A_309 = vector.broadcast %broadcast_in_dim3A_308 : i1 to vector<16xi1>
        %masked_cumsum3A = tpu.scan <sum>, %convert_element_type3A masked %broadcast_in_dim3A_309 : vector<16xi32>, vector<16xi1> -> vector<16xi32>
        %add3A_310 = arith.addi %mul3A_197, %while3A_263 : i32
        %sub3A_311 = arith.constant 1 : i32
        %sub3A_312 = vector.broadcast %sub3A_311 : i32 to vector<16xi32>
        %sub3A_313 = arith.subi %masked_cumsum3A, %sub3A_312 : vector<16xi32>
        %add3A_314 = vector.broadcast %add3A_310 : i32 to vector<16xi32>
        %add3A_315 = arith.addi %add3A_314, %sub3A_313 : vector<16xi32>
        %broadcast_in_dim3A_316 = vector.broadcast %while3A_198 : i32 to vector<16xi32>
        %select_n3A_317 = arith.select %le3A_272, %add3A_315, %broadcast_in_dim3A_316 : vector<16xi1>, vector<16xi32>
        %add3A_318 = arith.constant 0 : i32
        %add3A_319 = arith.addi %mul3A_265, %add3A_318 : i32
        %add3A_320 = arith.addi %add3A_319, %mul3A_32 : i32
        %add3A_321 = vector.broadcast %add3A_320 : i32 to vector<16xi32>
        %add3A_322 = arith.addi %iota3A, %add3A_321 : vector<16xi32>
        tpu.vector_store_idx %arg9[%select_n3A_317], %add3A_322 : memref<8208xi32, #tpu.memory_space<vmem>>[vector<16xi32>], vector<16xi32>,
        %add3A_323 = arith.addi %while3A_263, %squeeze3A_274 : i32
        %convert_element_type3A_324 = arith.extui %le3A_282 : vector<16xi1> to vector<16xi32>
        %broadcast_in_dim3A_325 = arith.constant true
        %broadcast_in_dim3A_326 = vector.broadcast %broadcast_in_dim3A_325 : i1 to vector<16xi1>
        %masked_cumsum3A_327 = tpu.scan <sum>, %convert_element_type3A_324 masked %broadcast_in_dim3A_326 : vector<16xi32>, vector<16xi1> -> vector<16xi32>
        %add3A_328 = arith.addi %mul3A_197, %add3A_323 : i32
        %sub3A_329 = arith.constant 1 : i32
        %sub3A_330 = vector.broadcast %sub3A_329 : i32 to vector<16xi32>
        %sub3A_331 = arith.subi %masked_cumsum3A_327, %sub3A_330 : vector<16xi32>
        %add3A_332 = vector.broadcast %add3A_328 : i32 to vector<16xi32>
        %add3A_333 = arith.addi %add3A_332, %sub3A_331 : vector<16xi32>
        %broadcast_in_dim3A_334 = vector.broadcast %while3A_198 : i32 to vector<16xi32>
        %select_n3A_335 = arith.select %le3A_282, %add3A_333, %broadcast_in_dim3A_334 : vector<16xi1>, vector<16xi32>
        %add3A_336 = arith.constant 16 : i32
        %add3A_337 = arith.addi %mul3A_265, %add3A_336 : i32
        %add3A_338 = arith.addi %add3A_337, %mul3A_32 : i32
        %add3A_339 = vector.broadcast %add3A_338 : i32 to vector<16xi32>
        %add3A_340 = arith.addi %iota3A, %add3A_339 : vector<16xi32>
        tpu.vector_store_idx %arg9[%select_n3A_335], %add3A_340 : memref<8208xi32, #tpu.memory_space<vmem>>[vector<16xi32>], vector<16xi32>,
        %add3A_341 = arith.addi %add3A_323, %squeeze3A_285 : i32
        %convert_element_type3A_342 = arith.extui %le3A_293 : vector<16xi1> to vector<16xi32>
        %broadcast_in_dim3A_343 = arith.constant true
        %broadcast_in_dim3A_344 = vector.broadcast %broadcast_in_dim3A_343 : i1 to vector<16xi1>
        %masked_cumsum3A_345 = tpu.scan <sum>, %convert_element_type3A_342 masked %broadcast_in_dim3A_344 : vector<16xi32>, vector<16xi1> -> vector<16xi32>
        %add3A_346 = arith.addi %mul3A_197, %add3A_341 : i32
        %sub3A_347 = arith.constant 1 : i32
        %sub3A_348 = vector.broadcast %sub3A_347 : i32 to vector<16xi32>
        %sub3A_349 = arith.subi %masked_cumsum3A_345, %sub3A_348 : vector<16xi32>
        %add3A_350 = vector.broadcast %add3A_346 : i32 to vector<16xi32>
        %add3A_351 = arith.addi %add3A_350, %sub3A_349 : vector<16xi32>
        %broadcast_in_dim3A_352 = vector.broadcast %while3A_198 : i32 to vector<16xi32>
        %select_n3A_353 = arith.select %le3A_293, %add3A_351, %broadcast_in_dim3A_352 : vector<16xi1>, vector<16xi32>
        %add3A_354 = arith.constant 32 : i32
        %add3A_355 = arith.addi %mul3A_265, %add3A_354 : i32
        %add3A_356 = arith.addi %add3A_355, %mul3A_32 : i32
        %add3A_357 = vector.broadcast %add3A_356 : i32 to vector<16xi32>
        %add3A_358 = arith.addi %iota3A, %add3A_357 : vector<16xi32>
        tpu.vector_store_idx %arg9[%select_n3A_353], %add3A_358 : memref<8208xi32, #tpu.memory_space<vmem>>[vector<16xi32>], vector<16xi32>,
        %add3A_359 = arith.addi %add3A_341, %squeeze3A_296 : i32
        %convert_element_type3A_360 = arith.extui %le3A_304 : vector<16xi1> to vector<16xi32>
        %broadcast_in_dim3A_361 = arith.constant true
        %broadcast_in_dim3A_362 = vector.broadcast %broadcast_in_dim3A_361 : i1 to vector<16xi1>
        %masked_cumsum3A_363 = tpu.scan <sum>, %convert_element_type3A_360 masked %broadcast_in_dim3A_362 : vector<16xi32>, vector<16xi1> -> vector<16xi32>
        %add3A_364 = arith.addi %mul3A_197, %add3A_359 : i32
        %sub3A_365 = arith.constant 1 : i32
        %sub3A_366 = vector.broadcast %sub3A_365 : i32 to vector<16xi32>
        %sub3A_367 = arith.subi %masked_cumsum3A_363, %sub3A_366 : vector<16xi32>
        %add3A_368 = vector.broadcast %add3A_364 : i32 to vector<16xi32>
        %add3A_369 = arith.addi %add3A_368, %sub3A_367 : vector<16xi32>
        %broadcast_in_dim3A_370 = vector.broadcast %while3A_198 : i32 to vector<16xi32>
        %select_n3A_371 = arith.select %le3A_304, %add3A_369, %broadcast_in_dim3A_370 : vector<16xi1>, vector<16xi32>
        %add3A_372 = arith.constant 48 : i32
        %add3A_373 = arith.addi %mul3A_265, %add3A_372 : i32
        %add3A_374 = arith.addi %add3A_373, %mul3A_32 : i32
        %add3A_375 = vector.broadcast %add3A_374 : i32 to vector<16xi32>
        %add3A_376 = arith.addi %iota3A, %add3A_375 : vector<16xi32>
        tpu.vector_store_idx %arg9[%select_n3A_371], %add3A_376 : memref<8208xi32, #tpu.memory_space<vmem>>[vector<16xi32>], vector<16xi32>,
        %add3A_377 = arith.addi %add3A_359, %squeeze3A_307 : i32
        %add3A_378 = arith.constant 4 : i32
        %add3A_379 = arith.addi %while3A_262, %add3A_378 : i32
        scf.yield %add3A_379, %add3A_377 : i32, i32
      }
      %min3A_202 = arith.constant 64 : i32
      %min3A_203 = arith.minsi %while3A_201#1, %min3A_202 : i32
      %get3A_204 = arith.index_cast %mul3A_197 : i32 to index
      %get3A_205 = tpu.vector_load %arg9[%get3A_204] {strides = array<i32>} : memref<8208xi32, #tpu.memory_space<vmem>>, vector<16xi32>,
      %slice3A_206 = vector.extract_strided_slice %get3A_205 {offsets = [0], sizes = [1], strides = [1]} : vector<16xi32> to vector<1xi32>
      %squeeze3A_207 = vector.extract %slice3A_206[0] : i32 from vector<1xi32>
      %add3A_208 = arith.constant 0 : i32
      %add3A_209 = arith.addi %mul3A_197, %add3A_208 : i32
      %get3A_210 = arith.index_cast %add3A_209 : i32 to index
      %get3A_211 = tpu.vector_load %arg9[%get3A_210] {strides = array<i32>} : memref<8208xi32, #tpu.memory_space<vmem>>, vector<16xi32>,
      %add3A_212 = arith.constant 0 : i32
      %add3A_213 = vector.broadcast %add3A_212 : i32 to vector<16xi32>
      %add3A_214 = arith.addi %iota3A, %add3A_213 : vector<16xi32>
      %lt3A_215 = vector.broadcast %min3A_203 : i32 to vector<16xi32>
      %lt3A_216 = arith.cmpi slt, %add3A_214, %lt3A_215 : vector<16xi32>
      %broadcast_in_dim3A_217 = vector.broadcast %squeeze3A_207 : i32 to vector<16xi32>
      %select_n3A_218 = arith.select %lt3A_216, %get3A_211, %broadcast_in_dim3A_217 : vector<16xi1>, vector<16xi32>
      %swap3A_219 = arith.index_cast %add3A_209 : i32 to index
      %swap3A_220 = tpu.vector_load %arg9[%swap3A_219] {strides = array<i32>} : memref<8208xi32, #tpu.memory_space<vmem>>, vector<16xi32>,
      tpu.vector_store %arg9[%swap3A_219], %select_n3A_218 {strides = array<i32>} : memref<8208xi32, #tpu.memory_space<vmem>>, vector<16xi32>,
      %add3A_221 = arith.constant 16 : i32
      %add3A_222 = arith.addi %mul3A_197, %add3A_221 : i32
      %get3A_223 = arith.index_cast %add3A_222 : i32 to index
      %get3A_224 = tpu.vector_load %arg9[%get3A_223] {strides = array<i32>} : memref<8208xi32, #tpu.memory_space<vmem>>, vector<16xi32>,
      %add3A_225 = arith.constant 16 : i32
      %add3A_226 = vector.broadcast %add3A_225 : i32 to vector<16xi32>
      %add3A_227 = arith.addi %iota3A, %add3A_226 : vector<16xi32>
      %lt3A_228 = vector.broadcast %min3A_203 : i32 to vector<16xi32>
      %lt3A_229 = arith.cmpi slt, %add3A_227, %lt3A_228 : vector<16xi32>
      %broadcast_in_dim3A_230 = vector.broadcast %squeeze3A_207 : i32 to vector<16xi32>
      %select_n3A_231 = arith.select %lt3A_229, %get3A_224, %broadcast_in_dim3A_230 : vector<16xi1>, vector<16xi32>
      %swap3A_232 = arith.index_cast %add3A_222 : i32 to index
      %swap3A_233 = tpu.vector_load %arg9[%swap3A_232] {strides = array<i32>} : memref<8208xi32, #tpu.memory_space<vmem>>, vector<16xi32>,
      tpu.vector_store %arg9[%swap3A_232], %select_n3A_231 {strides = array<i32>} : memref<8208xi32, #tpu.memory_space<vmem>>, vector<16xi32>,
      %add3A_234 = arith.constant 32 : i32
      %add3A_235 = arith.addi %mul3A_197, %add3A_234 : i32
      %get3A_236 = arith.index_cast %add3A_235 : i32 to index
      %get3A_237 = tpu.vector_load %arg9[%get3A_236] {strides = array<i32>} : memref<8208xi32, #tpu.memory_space<vmem>>, vector<16xi32>,
      %add3A_238 = arith.constant 32 : i32
      %add3A_239 = vector.broadcast %add3A_238 : i32 to vector<16xi32>
      %add3A_240 = arith.addi %iota3A, %add3A_239 : vector<16xi32>
      %lt3A_241 = vector.broadcast %min3A_203 : i32 to vector<16xi32>
      %lt3A_242 = arith.cmpi slt, %add3A_240, %lt3A_241 : vector<16xi32>
      %broadcast_in_dim3A_243 = vector.broadcast %squeeze3A_207 : i32 to vector<16xi32>
      %select_n3A_244 = arith.select %lt3A_242, %get3A_237, %broadcast_in_dim3A_243 : vector<16xi1>, vector<16xi32>
      %swap3A_245 = arith.index_cast %add3A_235 : i32 to index
      %swap3A_246 = tpu.vector_load %arg9[%swap3A_245] {strides = array<i32>} : memref<8208xi32, #tpu.memory_space<vmem>>, vector<16xi32>,
      tpu.vector_store %arg9[%swap3A_245], %select_n3A_244 {strides = array<i32>} : memref<8208xi32, #tpu.memory_space<vmem>>, vector<16xi32>,
      %add3A_247 = arith.constant 48 : i32
      %add3A_248 = arith.addi %mul3A_197, %add3A_247 : i32
      %get3A_249 = arith.index_cast %add3A_248 : i32 to index
      %get3A_250 = tpu.vector_load %arg9[%get3A_249] {strides = array<i32>} : memref<8208xi32, #tpu.memory_space<vmem>>, vector<16xi32>,
      %add3A_251 = arith.constant 48 : i32
      %add3A_252 = vector.broadcast %add3A_251 : i32 to vector<16xi32>
      %add3A_253 = arith.addi %iota3A, %add3A_252 : vector<16xi32>
      %lt3A_254 = vector.broadcast %min3A_203 : i32 to vector<16xi32>
      %lt3A_255 = arith.cmpi slt, %add3A_253, %lt3A_254 : vector<16xi32>
      %broadcast_in_dim3A_256 = vector.broadcast %squeeze3A_207 : i32 to vector<16xi32>
      %select_n3A_257 = arith.select %lt3A_255, %get3A_250, %broadcast_in_dim3A_256 : vector<16xi1>, vector<16xi32>
      %swap3A_258 = arith.index_cast %add3A_248 : i32 to index
      %swap3A_259 = tpu.vector_load %arg9[%swap3A_258] {strides = array<i32>} : memref<8208xi32, #tpu.memory_space<vmem>>, vector<16xi32>,
      tpu.vector_store %arg9[%swap3A_258], %select_n3A_257 {strides = array<i32>} : memref<8208xi32, #tpu.memory_space<vmem>>, vector<16xi32>,
      %mul3A_260 = arith.constant 64 : i32
      %mul3A_261 = arith.muli %add3A_76, %mul3A_260 : i32
      "tpu.region"() ({
        %run_scoped3A = tpu.sem_alloc : memref<!tpu.dma_semaphore, #tpu.memory_space<semaphore_mem>>
        %dma_start3A_262 = tpu.memref_slice %arg9[%mul3A_197] : memref<8208xi32, #tpu.memory_space<vmem>> -> memref<64xi32, #tpu.memory_space<vmem>>
        %dma_start3A_263 = tpu.memref_slice %arg5[%mul3A_261] : memref<131072xi32, #tpu.memory_space<hbm>> -> memref<64xi32, #tpu.memory_space<hbm>>
        %dma_start3A_264 = tpu.memref_slice %arg5[%mul3A_261] : memref<131072xi32, #tpu.memory_space<hbm>> -> memref<64xi32, #tpu.memory_space<hbm>>
        %dma_start3A_265 = tpu.memref_slice %arg9[%mul3A_197] : memref<8208xi32, #tpu.memory_space<vmem>> -> memref<64xi32, #tpu.memory_space<vmem>>
        tpu.enqueue_dma source(%dma_start3A_265 : memref<64xi32, #tpu.memory_space<vmem>>) target(%dma_start3A_264 : memref<64xi32, #tpu.memory_space<hbm>>) target_semaphore(%run_scoped3A : memref<!tpu.dma_semaphore, #tpu.memory_space<semaphore_mem>>)
        %dma_wait3A_266 = tpu.memref_slice %arg9[%mul3A_197] : memref<8208xi32, #tpu.memory_space<vmem>> -> memref<64xi32, #tpu.memory_space<vmem>>
        %dma_wait3A_267 = tpu.memref_slice %arg5[%mul3A_261] : memref<131072xi32, #tpu.memory_space<hbm>> -> memref<64xi32, #tpu.memory_space<hbm>>
        %dma_wait3A_268 = tpu.memref_slice %arg5[%mul3A_261] : memref<131072xi32, #tpu.memory_space<hbm>> -> memref<64xi32, #tpu.memory_space<hbm>>
        %dma_wait3A_269 = tpu.memref_slice %arg9[%mul3A_197] : memref<8208xi32, #tpu.memory_space<vmem>> -> memref<64xi32, #tpu.memory_space<vmem>>
        tpu.wait_dma2 semaphore(%run_scoped3A : memref<!tpu.dma_semaphore, #tpu.memory_space<semaphore_mem>>) src(%dma_wait3A_269 : memref<64xi32, #tpu.memory_space<vmem>>) dst(%dma_wait3A_268 : memref<64xi32, #tpu.memory_space<hbm>>)
        tpu.yield
      }) : () -> ()
    }
    %scan3A_57 = arith.constant 64 : i32
    %dma_wait3A = arith.constant 0 : i32
    %dma_wait3A_58 = tpu.memref_slice %arg6[%dma_wait3A] : memref<49152xf32, #tpu.memory_space<vmem>> -> memref<16384xf32, #tpu.memory_space<vmem>>
    %dma_wait3A_59 = arith.constant 0 : i32
    %dma_wait3A_60 = tpu.memref_slice %arg2[%dma_wait3A_59] : memref<33554432xf32, #tpu.memory_space<hbm>> -> memref<16384xf32, #tpu.memory_space<hbm>>
    %dma_wait3A_61 = arith.constant 0 : i32
    %dma_wait3A_62 = tpu.memref_slice %arg6[%dma_wait3A_61] : memref<49152xf32, #tpu.memory_space<vmem>> -> memref<16384xf32, #tpu.memory_space<vmem>>
    %dma_wait3A_63 = arith.constant 0 : i32
    %dma_wait3A_64 = tpu.memref_slice %arg2[%dma_wait3A_63] : memref<33554432xf32, #tpu.memory_space<hbm>> -> memref<16384xf32, #tpu.memory_space<hbm>>
    tpu.wait_dma2 semaphore(%arg10 : memref<!tpu.dma_semaphore, #tpu.memory_space<semaphore_mem>>) src(%dma_wait3A_64 : memref<16384xf32, #tpu.memory_space<hbm>>) dst(%dma_wait3A_62 : memref<16384xf32, #tpu.memory_space<vmem>>)
    %dma_wait3A_65 = arith.constant 0 : i32
    %dma_wait3A_66 = tpu.memref_slice %arg6[%dma_wait3A_65] : memref<49152xf32, #tpu.memory_space<vmem>> -> memref<16384xf32, #tpu.memory_space<vmem>>
    %dma_wait3A_67 = arith.constant 0 : i32
    %dma_wait3A_68 = tpu.memref_slice %arg2[%dma_wait3A_67] : memref<33554432xf32, #tpu.memory_space<hbm>> -> memref<16384xf32, #tpu.memory_space<hbm>>
    %dma_wait3A_69 = arith.constant 0 : i32
    %dma_wait3A_70 = tpu.memref_slice %arg6[%dma_wait3A_69] : memref<49152xf32, #tpu.memory_space<vmem>> -> memref<16384xf32, #tpu.memory_space<vmem>>
    %dma_wait3A_71 = arith.constant 0 : i32
    %dma_wait3A_72 = tpu.memref_slice %arg2[%dma_wait3A_71] : memref<33554432xf32, #tpu.memory_space<hbm>> -> memref<16384xf32, #tpu.memory_space<hbm>>
    tpu.wait_dma2 semaphore(%arg10 : memref<!tpu.dma_semaphore, #tpu.memory_space<semaphore_mem>>) src(%dma_wait3A_72 : memref<16384xf32, #tpu.memory_space<hbm>>) dst(%dma_wait3A_70 : memref<16384xf32, #tpu.memory_space<vmem>>)
    return
  }
}

#map = affine_map<(d0, d1) -> (0, 0)>
#map1 = affine_map<(d0, d1) -> (0)>
module attributes {stable_mosaic.version = 14 : i64} {
  func.func @gk(%arg0: i32, %arg1: i32, %arg2: memref<32768x32xf32, #tpu.memory_space<hbm>>, %arg3: memref<229376xi32, #tpu.memory_space<hbm>>, %arg4: memref<229376x32xf32, #tpu.memory_space<hbm>>, %arg5: memref<256xi32, #tpu.memory_space<vmem>>, %arg6: memref<256x32xf32, #tpu.memory_space<vmem>>, %arg7: memref<!tpu.dma_semaphore, #tpu.memory_space<semaphore_mem>>) attributes {dimension_semantics = [#tpu.dimension_semantics<core_parallel>, #tpu.dimension_semantics<subcore_parallel>], iteration_bounds = array<i64: 2, 16>, scalar_prefetch = 0 : i64, scratch_operands = 3 : i64, tpu.core_type = #tpu.core_type<sc_vector_subcore>, window_params = [{transform_indices = #map}, {transform_indices = #map1}, {transform_indices = #map}]} {
    %mul3A = arith.constant 2 : i32
    %mul3A_0 = arith.muli %arg1, %mul3A : i32
    %add3A = arith.addi %mul3A_0, %arg0 : i32
    %mul3A_1 = arith.constant 7168 : i32
    %mul3A_2 = arith.muli %add3A, %mul3A_1 : i32
    "tpu.region"() ({
      %run_scoped3A = tpu.sem_alloc : memref<!tpu.dma_semaphore, #tpu.memory_space<semaphore_mem>>
      %dma_start3A_26 = arith.constant 0 : i32
      %dma_start3A_27 = tpu.memref_slice %arg5[%dma_start3A_26] : memref<256xi32, #tpu.memory_space<vmem>> -> memref<128xi32, #tpu.memory_space<vmem>>
      %dma_start3A_28 = tpu.memref_slice %arg3[%mul3A_2] : memref<229376xi32, #tpu.memory_space<hbm>> -> memref<128xi32, #tpu.memory_space<hbm>>
      %dma_start3A_29 = arith.constant 0 : i32
      %dma_start3A_30 = tpu.memref_slice %arg5[%dma_start3A_29] : memref<256xi32, #tpu.memory_space<vmem>> -> memref<128xi32, #tpu.memory_space<vmem>>
      %dma_start3A_31 = tpu.memref_slice %arg3[%mul3A_2] : memref<229376xi32, #tpu.memory_space<hbm>> -> memref<128xi32, #tpu.memory_space<hbm>>
      tpu.enqueue_dma source(%dma_start3A_31 : memref<128xi32, #tpu.memory_space<hbm>>) target(%dma_start3A_30 : memref<128xi32, #tpu.memory_space<vmem>>) target_semaphore(%run_scoped3A : memref<!tpu.dma_semaphore, #tpu.memory_space<semaphore_mem>>)
      %dma_wait3A_32 = arith.constant 0 : i32
      %dma_wait3A_33 = tpu.memref_slice %arg5[%dma_wait3A_32] : memref<256xi32, #tpu.memory_space<vmem>> -> memref<128xi32, #tpu.memory_space<vmem>>
      %dma_wait3A_34 = tpu.memref_slice %arg3[%mul3A_2] : memref<229376xi32, #tpu.memory_space<hbm>> -> memref<128xi32, #tpu.memory_space<hbm>>
      %dma_wait3A_35 = arith.constant 0 : i32
      %dma_wait3A_36 = tpu.memref_slice %arg5[%dma_wait3A_35] : memref<256xi32, #tpu.memory_space<vmem>> -> memref<128xi32, #tpu.memory_space<vmem>>
      %dma_wait3A_37 = tpu.memref_slice %arg3[%mul3A_2] : memref<229376xi32, #tpu.memory_space<hbm>> -> memref<128xi32, #tpu.memory_space<hbm>>
      tpu.wait_dma2 semaphore(%run_scoped3A : memref<!tpu.dma_semaphore, #tpu.memory_space<semaphore_mem>>) src(%dma_wait3A_37 : memref<128xi32, #tpu.memory_space<hbm>>) dst(%dma_wait3A_36 : memref<128xi32, #tpu.memory_space<vmem>>)
      tpu.yield
    }) : () -> ()
    %dma_start3A = arith.constant 0 : i32
    %dma_start3A_3 = arith.constant 0 : i32
    %dma_start3A_4 = tpu.memref_slice %arg6[%dma_start3A, %dma_start3A_3] : memref<256x32xf32, #tpu.memory_space<vmem>> -> memref<128x32xf32, #tpu.memory_space<vmem>>
    %dma_start3A_5 = arith.constant 0 : i32
    %dma_start3A_6 = tpu.memref_slice %arg5[%dma_start3A_5] : memref<256xi32, #tpu.memory_space<vmem>> -> memref<128xi32, #tpu.memory_space<vmem>>
    %dma_start3A_7 = arith.constant 0 : i32
    %dma_start3A_8 = arith.constant 0 : i32
    %dma_start3A_9 = tpu.memref_slice %arg2[%dma_start3A_7, %dma_start3A_8] : memref<32768x32xf32, #tpu.memory_space<hbm>> -> memref<32768x32xf32, #tpu.memory_space<hbm>>
    tpu.enqueue_indirect_dma source(%dma_start3A_9 : memref<32768x32xf32, #tpu.memory_space<hbm>>) target(%dma_start3A_4 : memref<128x32xf32, #tpu.memory_space<vmem>>) offsets(%dma_start3A_6 : memref<128xi32, #tpu.memory_space<vmem>>) semaphore(%arg7 : memref<!tpu.dma_semaphore, #tpu.memory_space<semaphore_mem>>)
    %scan3A = arith.constant 0 : i32
    %scan3A_10 = arith.constant 0 : i32
    %scan3A_11 = arith.constant 56 : i32
    %scan3A_12 = arith.addi %scan3A_10, %scan3A_11 : i32
    %scan3A_13 = arith.constant 1 : i32
    scf.for %scan3A_26 = %scan3A_10 to %scan3A_12 step %scan3A_13  : i32 {
      %jit3A = arith.constant 2 : i32
      %eq3A = arith.constant 0 : i32
      %eq3A_27 = arith.cmpi eq, %jit3A, %eq3A : i32
      %jit3A_28 = arith.constant 1 : i32
      %select_n3A = arith.select %eq3A_27, %jit3A_28, %jit3A : i32
      %rem3A = arith.remsi %scan3A_26, %select_n3A : i32
      %ne3A = arith.constant 0 : i32
      %ne3A_29 = arith.cmpi ne, %rem3A, %ne3A : i32
      %lt3A = arith.constant 0 : i32
      %lt3A_30 = arith.cmpi slt, %rem3A, %lt3A : i32
      %lt3A_31 = arith.constant 0 : i32
      %lt3A_32 = arith.cmpi slt, %select_n3A, %lt3A_31 : i32
      %ne3A_33 = arith.xori %lt3A_30, %lt3A_32 : i1
      %and3A = arith.andi %ne3A_33, %ne3A_29 : i1
      %add3A_34 = arith.addi %rem3A, %select_n3A : i32
      %select_n3A_35 = arith.select %and3A, %add3A_34, %rem3A : i32
      %mul3A_36 = arith.constant 128 : i32
      %mul3A_37 = arith.muli %select_n3A_35, %mul3A_36 : i32
      %add3A_38 = arith.constant 1 : i32
      %add3A_39 = arith.addi %scan3A_26, %add3A_38 : i32
      %jit3A_40 = arith.constant 2 : i32
      %eq3A_41 = arith.constant 0 : i32
      %eq3A_42 = arith.cmpi eq, %jit3A_40, %eq3A_41 : i32
      %jit3A_43 = arith.constant 1 : i32
      %select_n3A_44 = arith.select %eq3A_42, %jit3A_43, %jit3A_40 : i32
      %rem3A_45 = arith.remsi %add3A_39, %select_n3A_44 : i32
      %ne3A_46 = arith.constant 0 : i32
      %ne3A_47 = arith.cmpi ne, %rem3A_45, %ne3A_46 : i32
      %lt3A_48 = arith.constant 0 : i32
      %lt3A_49 = arith.cmpi slt, %rem3A_45, %lt3A_48 : i32
      %lt3A_50 = arith.constant 0 : i32
      %lt3A_51 = arith.cmpi slt, %select_n3A_44, %lt3A_50 : i32
      %ne3A_52 = arith.xori %lt3A_49, %lt3A_51 : i1
      %and3A_53 = arith.andi %ne3A_52, %ne3A_47 : i1
      %add3A_54 = arith.addi %rem3A_45, %select_n3A_44 : i32
      %select_n3A_55 = arith.select %and3A_53, %add3A_54, %rem3A_45 : i32
      %mul3A_56 = arith.constant 128 : i32
      %mul3A_57 = arith.muli %select_n3A_55, %mul3A_56 : i32
      %mul3A_58 = arith.constant 128 : i32
      %mul3A_59 = arith.muli %scan3A_26, %mul3A_58 : i32
      %add3A_60 = arith.addi %mul3A_2, %mul3A_59 : i32
      %dma_wait3A_61 = arith.constant 0 : i32
      %dma_wait3A_62 = arith.constant 0 : i32
      %dma_wait3A_63 = tpu.memref_slice %arg6[%dma_wait3A_61, %dma_wait3A_62] : memref<256x32xf32, #tpu.memory_space<vmem>> -> memref<128x32xf32, #tpu.memory_space<vmem>>
      %dma_wait3A_64 = arith.constant 0 : i32
      %dma_wait3A_65 = arith.constant 0 : i32
      %dma_wait3A_66 = tpu.memref_slice %arg2[%dma_wait3A_64, %dma_wait3A_65] : memref<32768x32xf32, #tpu.memory_space<hbm>> -> memref<128x32xf32, #tpu.memory_space<hbm>>
      %dma_wait3A_67 = arith.constant 0 : i32
      %dma_wait3A_68 = arith.constant 0 : i32
      %dma_wait3A_69 = tpu.memref_slice %arg6[%dma_wait3A_67, %dma_wait3A_68] : memref<256x32xf32, #tpu.memory_space<vmem>> -> memref<128x32xf32, #tpu.memory_space<vmem>>
      %dma_wait3A_70 = arith.constant 0 : i32
      %dma_wait3A_71 = arith.constant 0 : i32
      %dma_wait3A_72 = tpu.memref_slice %arg2[%dma_wait3A_70, %dma_wait3A_71] : memref<32768x32xf32, #tpu.memory_space<hbm>> -> memref<128x32xf32, #tpu.memory_space<hbm>>
      tpu.wait_dma2 semaphore(%arg7 : memref<!tpu.dma_semaphore, #tpu.memory_space<semaphore_mem>>) src(%dma_wait3A_72 : memref<128x32xf32, #tpu.memory_space<hbm>>) dst(%dma_wait3A_69 : memref<128x32xf32, #tpu.memory_space<vmem>>)
      %add3A_73 = arith.constant 1 : i32
      %add3A_74 = arith.addi %scan3A_26, %add3A_73 : i32
      %min3A = arith.constant 55 : i32
      %min3A_75 = arith.minsi %add3A_74, %min3A : i32
      %mul3A_76 = arith.constant 128 : i32
      %mul3A_77 = arith.muli %min3A_75, %mul3A_76 : i32
      %add3A_78 = arith.addi %mul3A_2, %mul3A_77 : i32
      "tpu.region"() ({
        %run_scoped3A = tpu.sem_alloc : memref<!tpu.dma_semaphore, #tpu.memory_space<semaphore_mem>>
        %dma_start3A_85 = tpu.memref_slice %arg5[%mul3A_57] : memref<256xi32, #tpu.memory_space<vmem>> -> memref<128xi32, #tpu.memory_space<vmem>>
        %dma_start3A_86 = tpu.memref_slice %arg3[%add3A_78] : memref<229376xi32, #tpu.memory_space<hbm>> -> memref<128xi32, #tpu.memory_space<hbm>>
        %dma_start3A_87 = tpu.memref_slice %arg5[%mul3A_57] : memref<256xi32, #tpu.memory_space<vmem>> -> memref<128xi32, #tpu.memory_space<vmem>>
        %dma_start3A_88 = tpu.memref_slice %arg3[%add3A_78] : memref<229376xi32, #tpu.memory_space<hbm>> -> memref<128xi32, #tpu.memory_space<hbm>>
        tpu.enqueue_dma source(%dma_start3A_88 : memref<128xi32, #tpu.memory_space<hbm>>) target(%dma_start3A_87 : memref<128xi32, #tpu.memory_space<vmem>>) target_semaphore(%run_scoped3A : memref<!tpu.dma_semaphore, #tpu.memory_space<semaphore_mem>>)
        %dma_wait3A_89 = tpu.memref_slice %arg5[%mul3A_57] : memref<256xi32, #tpu.memory_space<vmem>> -> memref<128xi32, #tpu.memory_space<vmem>>
        %dma_wait3A_90 = tpu.memref_slice %arg3[%add3A_78] : memref<229376xi32, #tpu.memory_space<hbm>> -> memref<128xi32, #tpu.memory_space<hbm>>
        %dma_wait3A_91 = tpu.memref_slice %arg5[%mul3A_57] : memref<256xi32, #tpu.memory_space<vmem>> -> memref<128xi32, #tpu.memory_space<vmem>>
        %dma_wait3A_92 = tpu.memref_slice %arg3[%add3A_78] : memref<229376xi32, #tpu.memory_space<hbm>> -> memref<128xi32, #tpu.memory_space<hbm>>
        tpu.wait_dma2 semaphore(%run_scoped3A : memref<!tpu.dma_semaphore, #tpu.memory_space<semaphore_mem>>) src(%dma_wait3A_92 : memref<128xi32, #tpu.memory_space<hbm>>) dst(%dma_wait3A_91 : memref<128xi32, #tpu.memory_space<vmem>>)
        tpu.yield
      }) : () -> ()
      %dma_start3A_79 = arith.constant 0 : i32
      %dma_start3A_80 = tpu.memref_slice %arg6[%mul3A_57, %dma_start3A_79] : memref<256x32xf32, #tpu.memory_space<vmem>> -> memref<128x32xf32, #tpu.memory_space<vmem>>
      %dma_start3A_81 = tpu.memref_slice %arg5[%mul3A_57] : memref<256xi32, #tpu.memory_space<vmem>> -> memref<128xi32, #tpu.memory_space<vmem>>
      %dma_start3A_82 = arith.constant 0 : i32
      %dma_start3A_83 = arith.constant 0 : i32
      %dma_start3A_84 = tpu.memref_slice %arg2[%dma_start3A_82, %dma_start3A_83] : memref<32768x32xf32, #tpu.memory_space<hbm>> -> memref<32768x32xf32, #tpu.memory_space<hbm>>
      tpu.enqueue_indirect_dma source(%dma_start3A_84 : memref<32768x32xf32, #tpu.memory_space<hbm>>) target(%dma_start3A_80 : memref<128x32xf32, #tpu.memory_space<vmem>>) offsets(%dma_start3A_81 : memref<128xi32, #tpu.memory_space<vmem>>) semaphore(%arg7 : memref<!tpu.dma_semaphore, #tpu.memory_space<semaphore_mem>>)
      "tpu.region"() ({
        %run_scoped3A = tpu.sem_alloc : memref<!tpu.dma_semaphore, #tpu.memory_space<semaphore_mem>>
        %dma_start3A_85 = arith.constant 0 : i32
        %dma_start3A_86 = tpu.memref_slice %arg6[%mul3A_37, %dma_start3A_85] : memref<256x32xf32, #tpu.memory_space<vmem>> -> memref<128x32xf32, #tpu.memory_space<vmem>>
        %dma_start3A_87 = arith.constant 0 : i32
        %dma_start3A_88 = tpu.memref_slice %arg4[%add3A_60, %dma_start3A_87] : memref<229376x32xf32, #tpu.memory_space<hbm>> -> memref<128x32xf32, #tpu.memory_space<hbm>>
        %dma_start3A_89 = arith.constant 0 : i32
        %dma_start3A_90 = tpu.memref_slice %arg4[%add3A_60, %dma_start3A_89] : memref<229376x32xf32, #tpu.memory_space<hbm>> -> memref<128x32xf32, #tpu.memory_space<hbm>>
        %dma_start3A_91 = arith.constant 0 : i32
        %dma_start3A_92 = tpu.memref_slice %arg6[%mul3A_37, %dma_start3A_91] : memref<256x32xf32, #tpu.memory_space<vmem>> -> memref<128x32xf32, #tpu.memory_space<vmem>>
        tpu.enqueue_dma source(%dma_start3A_92 : memref<128x32xf32, #tpu.memory_space<vmem>>) target(%dma_start3A_90 : memref<128x32xf32, #tpu.memory_space<hbm>>) target_semaphore(%run_scoped3A : memref<!tpu.dma_semaphore, #tpu.memory_space<semaphore_mem>>)
        %dma_wait3A_93 = arith.constant 0 : i32
        %dma_wait3A_94 = tpu.memref_slice %arg6[%mul3A_37, %dma_wait3A_93] : memref<256x32xf32, #tpu.memory_space<vmem>> -> memref<128x32xf32, #tpu.memory_space<vmem>>
        %dma_wait3A_95 = arith.constant 0 : i32
        %dma_wait3A_96 = tpu.memref_slice %arg4[%add3A_60, %dma_wait3A_95] : memref<229376x32xf32, #tpu.memory_space<hbm>> -> memref<128x32xf32, #tpu.memory_space<hbm>>
        %dma_wait3A_97 = arith.constant 0 : i32
        %dma_wait3A_98 = tpu.memref_slice %arg4[%add3A_60, %dma_wait3A_97] : memref<229376x32xf32, #tpu.memory_space<hbm>> -> memref<128x32xf32, #tpu.memory_space<hbm>>
        %dma_wait3A_99 = arith.constant 0 : i32
        %dma_wait3A_100 = tpu.memref_slice %arg6[%mul3A_37, %dma_wait3A_99] : memref<256x32xf32, #tpu.memory_space<vmem>> -> memref<128x32xf32, #tpu.memory_space<vmem>>
        tpu.wait_dma2 semaphore(%run_scoped3A : memref<!tpu.dma_semaphore, #tpu.memory_space<semaphore_mem>>) src(%dma_wait3A_100 : memref<128x32xf32, #tpu.memory_space<vmem>>) dst(%dma_wait3A_98 : memref<128x32xf32, #tpu.memory_space<hbm>>)
        tpu.yield
      }) : () -> ()
    }
    %scan3A_14 = arith.constant 56 : i32
    %dma_wait3A = arith.constant 0 : i32
    %dma_wait3A_15 = arith.constant 0 : i32
    %dma_wait3A_16 = tpu.memref_slice %arg6[%dma_wait3A, %dma_wait3A_15] : memref<256x32xf32, #tpu.memory_space<vmem>> -> memref<128x32xf32, #tpu.memory_space<vmem>>
    %dma_wait3A_17 = arith.constant 0 : i32
    %dma_wait3A_18 = arith.constant 0 : i32
    %dma_wait3A_19 = tpu.memref_slice %arg2[%dma_wait3A_17, %dma_wait3A_18] : memref<32768x32xf32, #tpu.memory_space<hbm>> -> memref<128x32xf32, #tpu.memory_space<hbm>>
    %dma_wait3A_20 = arith.constant 0 : i32
    %dma_wait3A_21 = arith.constant 0 : i32
    %dma_wait3A_22 = tpu.memref_slice %arg6[%dma_wait3A_20, %dma_wait3A_21] : memref<256x32xf32, #tpu.memory_space<vmem>> -> memref<128x32xf32, #tpu.memory_space<vmem>>
    %dma_wait3A_23 = arith.constant 0 : i32
    %dma_wait3A_24 = arith.constant 0 : i32
    %dma_wait3A_25 = tpu.memref_slice %arg2[%dma_wait3A_23, %dma_wait3A_24] : memref<32768x32xf32, #tpu.memory_space<hbm>> -> memref<128x32xf32, #tpu.memory_space<hbm>>
    tpu.wait_dma2 semaphore(%arg7 : memref<!tpu.dma_semaphore, #tpu.memory_space<semaphore_mem>>) src(%dma_wait3A_25 : memref<128x32xf32, #tpu.memory_space<hbm>>) dst(%dma_wait3A_22 : memref<128x32xf32, #tpu.memory_space<vmem>>)
    return
  }
}

module attributes {stable_mosaic.version = 14 : i64} {
  func.func @_fps_body(%arg0: memref<2x3x128x128xf32, #tpu.memory_space<vmem>>, %arg1: memref<2x3x16384xf32, #tpu.memory_space<smem>>, %arg2: memref<2x1024xi32, #tpu.memory_space<smem>>, %arg3: memref<3x2x1024xf32, #tpu.memory_space<smem>>, %arg4: memref<2x128x128xf32, #tpu.memory_space<vmem>>) attributes {dimension_semantics = [], scalar_prefetch = 0 : i64, scratch_operands = 1 : i64, tpu.core_type = #tpu.core_type<tc>} {
    %iota3A = tpu.iota {dimensions = array<i32: 0>} : vector<128x128xi32>
    %iota3A_0 = tpu.iota {dimensions = array<i32: 1>} : vector<128x128xi32>
    %mul3A = arith.constant 128 : i32
    %mul3A_1 = vector.broadcast %mul3A : i32 to vector<128x128xi32>
    %mul3A_2 = arith.muli %iota3A, %mul3A_1 : vector<128x128xi32>
    %add3A = arith.addi %mul3A_2, %iota3A_0 : vector<128x128xi32>
    %broadcast_in_dim3A = arith.constant 1.000000e+10 : f32
    %broadcast_in_dim3A_3 = vector.broadcast %broadcast_in_dim3A : f32 to vector<2x128x128xf32>
    %swap3A = arith.constant 0 : index
    %swap3A_4 = arith.constant 0 : index
    %swap3A_5 = arith.constant 0 : index
    %swap3A_6 = vector.load %arg4[%swap3A, %swap3A_4, %swap3A_5] : memref<2x128x128xf32, #tpu.memory_space<vmem>>, vector<2x128x128xf32>
    tpu.vector_store %arg4[%swap3A, %swap3A_4, %swap3A_5], %broadcast_in_dim3A_3 {strides = array<i32>} : memref<2x128x128xf32, #tpu.memory_space<vmem>>, vector<2x128x128xf32>,
    %scan3A = arith.constant 0 : i32
    %scan3A_7 = arith.constant 0 : i32
    %scan3A_8 = arith.constant 0 : i32
    %scan3A_9 = arith.constant 1024 : i32
    %scan3A_10 = arith.addi %scan3A_8, %scan3A_9 : i32
    %scan3A_11 = arith.constant 1 : i32
    %scan3A_12:2 = scf.for %scan3A_14 = %scan3A_8 to %scan3A_10 step %scan3A_11 iter_args(%scan3A_15 = %scan3A, %scan3A_16 = %scan3A_7) -> (i32, i32)  : i32 {
      %swap3A_17 = arith.constant 0 : index
      %swap3A_18 = arith.index_cast %scan3A_14 : i32 to index
      %swap3A_19 = memref.load %arg2[%swap3A_17, %swap3A_18] : memref<2x1024xi32, #tpu.memory_space<smem>>
      memref.store %scan3A_15, %arg2[%swap3A_17, %swap3A_18] : memref<2x1024xi32, #tpu.memory_space<smem>>
      %get3A = arith.constant 0 : index
      %get3A_20 = arith.constant 0 : index
      %get3A_21 = arith.constant 0 : index
      %get3A_22 = arith.constant 0 : index
      %get3A_23 = vector.load %arg0[%get3A, %get3A_20, %get3A_21, %get3A_22] : memref<2x3x128x128xf32, #tpu.memory_space<vmem>>, vector<1x1x128x128xf32>
      %get3A_24 = vector.shape_cast %get3A_23 : vector<1x1x128x128xf32> to vector<128x128xf32>
      %get3A_25 = arith.constant 0 : index
      %get3A_26 = arith.constant 1 : index
      %get3A_27 = arith.constant 0 : index
      %get3A_28 = arith.constant 0 : index
      %get3A_29 = vector.load %arg0[%get3A_25, %get3A_26, %get3A_27, %get3A_28] : memref<2x3x128x128xf32, #tpu.memory_space<vmem>>, vector<1x1x128x128xf32>
      %get3A_30 = vector.shape_cast %get3A_29 : vector<1x1x128x128xf32> to vector<128x128xf32>
      %get3A_31 = arith.constant 0 : index
      %get3A_32 = arith.constant 2 : index
      %get3A_33 = arith.constant 0 : index
      %get3A_34 = arith.constant 0 : index
      %get3A_35 = vector.load %arg0[%get3A_31, %get3A_32, %get3A_33, %get3A_34] : memref<2x3x128x128xf32, #tpu.memory_space<vmem>>, vector<1x1x128x128xf32>
      %get3A_36 = vector.shape_cast %get3A_35 : vector<1x1x128x128xf32> to vector<128x128xf32>
      %get3A_37 = arith.constant 0 : index
      %get3A_38 = arith.constant 0 : index
      %get3A_39 = arith.index_cast %scan3A_15 : i32 to index
      %get3A_40 = memref.load %arg1[%get3A_37, %get3A_38, %get3A_39] : memref<2x3x16384xf32, #tpu.memory_space<smem>>
      %get3A_41 = arith.constant 0 : index
      %get3A_42 = arith.constant 1 : index
      %get3A_43 = arith.index_cast %scan3A_15 : i32 to index
      %get3A_44 = memref.load %arg1[%get3A_41, %get3A_42, %get3A_43] : memref<2x3x16384xf32, #tpu.memory_space<smem>>
      %get3A_45 = arith.constant 0 : index
      %get3A_46 = arith.constant 2 : index
      %get3A_47 = arith.index_cast %scan3A_15 : i32 to index
      %get3A_48 = memref.load %arg1[%get3A_45, %get3A_46, %get3A_47] : memref<2x3x16384xf32, #tpu.memory_space<smem>>
      %swap3A_49 = arith.constant 0 : index
      %swap3A_50 = arith.constant 0 : index
      %swap3A_51 = arith.index_cast %scan3A_14 : i32 to index
      %swap3A_52 = memref.load %arg3[%swap3A_49, %swap3A_50, %swap3A_51] : memref<3x2x1024xf32, #tpu.memory_space<smem>>
      memref.store %get3A_40, %arg3[%swap3A_49, %swap3A_50, %swap3A_51] : memref<3x2x1024xf32, #tpu.memory_space<smem>>
      %swap3A_53 = arith.constant 1 : index
      %swap3A_54 = arith.constant 0 : index
      %swap3A_55 = arith.index_cast %scan3A_14 : i32 to index
      %swap3A_56 = memref.load %arg3[%swap3A_53, %swap3A_54, %swap3A_55] : memref<3x2x1024xf32, #tpu.memory_space<smem>>
      memref.store %get3A_44, %arg3[%swap3A_53, %swap3A_54, %swap3A_55] : memref<3x2x1024xf32, #tpu.memory_space<smem>>
      %swap3A_57 = arith.constant 2 : index
      %swap3A_58 = arith.constant 0 : index
      %swap3A_59 = arith.index_cast %scan3A_14 : i32 to index
      %swap3A_60 = memref.load %arg3[%swap3A_57, %swap3A_58, %swap3A_59] : memref<3x2x1024xf32, #tpu.memory_space<smem>>
      memref.store %get3A_48, %arg3[%swap3A_57, %swap3A_58, %swap3A_59] : memref<3x2x1024xf32, #tpu.memory_space<smem>>
      %sub3A = vector.broadcast %get3A_40 : f32 to vector<128x128xf32>
      %sub3A_61 = arith.subf %get3A_24, %sub3A : vector<128x128xf32>
      %sub3A_62 = vector.broadcast %get3A_44 : f32 to vector<128x128xf32>
      %sub3A_63 = arith.subf %get3A_30, %sub3A_62 : vector<128x128xf32>
      %sub3A_64 = vector.broadcast %get3A_48 : f32 to vector<128x128xf32>
      %sub3A_65 = arith.subf %get3A_36, %sub3A_64 : vector<128x128xf32>
      %mul3A_66 = arith.mulf %sub3A_61, %sub3A_61 : vector<128x128xf32>
      %mul3A_67 = arith.mulf %sub3A_63, %sub3A_63 : vector<128x128xf32>
      %add3A_68 = arith.addf %mul3A_66, %mul3A_67 : vector<128x128xf32>
      %mul3A_69 = arith.mulf %sub3A_65, %sub3A_65 : vector<128x128xf32>
      %add3A_70 = arith.addf %add3A_68, %mul3A_69 : vector<128x128xf32>
      %swap3A_71 = arith.constant 1 : index
      %swap3A_72 = arith.index_cast %scan3A_14 : i32 to index
      %swap3A_73 = memref.load %arg2[%swap3A_71, %swap3A_72] : memref<2x1024xi32, #tpu.memory_space<smem>>
      memref.store %scan3A_16, %arg2[%swap3A_71, %swap3A_72] : memref<2x1024xi32, #tpu.memory_space<smem>>
      %get3A_74 = arith.constant 1 : index
      %get3A_75 = arith.constant 0 : index
      %get3A_76 = arith.constant 0 : index
      %get3A_77 = arith.constant 0 : index
      %get3A_78 = vector.load %arg0[%get3A_74, %get3A_75, %get3A_76, %get3A_77] : memref<2x3x128x128xf32, #tpu.memory_space<vmem>>, vector<1x1x128x128xf32>
      %get3A_79 = vector.shape_cast %get3A_78 : vector<1x1x128x128xf32> to vector<128x128xf32>
      %get3A_80 = arith.constant 1 : index
      %get3A_81 = arith.constant 1 : index
      %get3A_82 = arith.constant 0 : index
      %get3A_83 = arith.constant 0 : index
      %get3A_84 = vector.load %arg0[%get3A_80, %get3A_81, %get3A_82, %get3A_83] : memref<2x3x128x128xf32, #tpu.memory_space<vmem>>, vector<1x1x128x128xf32>
      %get3A_85 = vector.shape_cast %get3A_84 : vector<1x1x128x128xf32> to vector<128x128xf32>
      %get3A_86 = arith.constant 1 : index
      %get3A_87 = arith.constant 2 : index
      %get3A_88 = arith.constant 0 : index
      %get3A_89 = arith.constant 0 : index
      %get3A_90 = vector.load %arg0[%get3A_86, %get3A_87, %get3A_88, %get3A_89] : memref<2x3x128x128xf32, #tpu.memory_space<vmem>>, vector<1x1x128x128xf32>
      %get3A_91 = vector.shape_cast %get3A_90 : vector<1x1x128x128xf32> to vector<128x128xf32>
      %get3A_92 = arith.constant 1 : index
      %get3A_93 = arith.constant 0 : index
      %get3A_94 = arith.index_cast %scan3A_16 : i32 to index
      %get3A_95 = memref.load %arg1[%get3A_92, %get3A_93, %get3A_94] : memref<2x3x16384xf32, #tpu.memory_space<smem>>
      %get3A_96 = arith.constant 1 : index
      %get3A_97 = arith.constant 1 : index
      %get3A_98 = arith.index_cast %scan3A_16 : i32 to index
      %get3A_99 = memref.load %arg1[%get3A_96, %get3A_97, %get3A_98] : memref<2x3x16384xf32, #tpu.memory_space<smem>>
      %get3A_100 = arith.constant 1 : index
      %get3A_101 = arith.constant 2 : index
      %get3A_102 = arith.index_cast %scan3A_16 : i32 to index
      %get3A_103 = memref.load %arg1[%get3A_100, %get3A_101, %get3A_102] : memref<2x3x16384xf32, #tpu.memory_space<smem>>
      %swap3A_104 = arith.constant 0 : index
      %swap3A_105 = arith.constant 1 : index
      %swap3A_106 = arith.index_cast %scan3A_14 : i32 to index
      %swap3A_107 = memref.load %arg3[%swap3A_104, %swap3A_105, %swap3A_106] : memref<3x2x1024xf32, #tpu.memory_space<smem>>
      memref.store %get3A_95, %arg3[%swap3A_104, %swap3A_105, %swap3A_106] : memref<3x2x1024xf32, #tpu.memory_space<smem>>
      %swap3A_108 = arith.constant 1 : index
      %swap3A_109 = arith.constant 1 : index
      %swap3A_110 = arith.index_cast %scan3A_14 : i32 to index
      %swap3A_111 = memref.load %arg3[%swap3A_108, %swap3A_109, %swap3A_110] : memref<3x2x1024xf32, #tpu.memory_space<smem>>
      memref.store %get3A_99, %arg3[%swap3A_108, %swap3A_109, %swap3A_110] : memref<3x2x1024xf32, #tpu.memory_space<smem>>
      %swap3A_112 = arith.constant 2 : index
      %swap3A_113 = arith.constant 1 : index
      %swap3A_114 = arith.index_cast %scan3A_14 : i32 to index
      %swap3A_115 = memref.load %arg3[%swap3A_112, %swap3A_113, %swap3A_114] : memref<3x2x1024xf32, #tpu.memory_space<smem>>
      memref.store %get3A_103, %arg3[%swap3A_112, %swap3A_113, %swap3A_114] : memref<3x2x1024xf32, #tpu.memory_space<smem>>
      %sub3A_116 = vector.broadcast %get3A_95 : f32 to vector<128x128xf32>
      %sub3A_117 = arith.subf %get3A_79, %sub3A_116 : vector<128x128xf32>
      %sub3A_118 = vector.broadcast %get3A_99 : f32 to vector<128x128xf32>
      %sub3A_119 = arith.subf %get3A_85, %sub3A_118 : vector<128x128xf32>
      %sub3A_120 = vector.broadcast %get3A_103 : f32 to vector<128x128xf32>
      %sub3A_121 = arith.subf %get3A_91, %sub3A_120 : vector<128x128xf32>
      %mul3A_122 = arith.mulf %sub3A_117, %sub3A_117 : vector<128x128xf32>
      %mul3A_123 = arith.mulf %sub3A_119, %sub3A_119 : vector<128x128xf32>
      %add3A_124 = arith.addf %mul3A_122, %mul3A_123 : vector<128x128xf32>
      %mul3A_125 = arith.mulf %sub3A_121, %sub3A_121 : vector<128x128xf32>
      %add3A_126 = arith.addf %add3A_124, %mul3A_125 : vector<128x128xf32>
      %get3A_127 = arith.constant 0 : index
      %get3A_128 = arith.constant 0 : index
      %get3A_129 = arith.constant 0 : index
      %get3A_130 = vector.load %arg4[%get3A_127, %get3A_128, %get3A_129] : memref<2x128x128xf32, #tpu.memory_space<vmem>>, vector<2x128x128xf32>
      %stack3A = vector.shape_cast %add3A_70 : vector<128x128xf32> to vector<1x128x128xf32>
      %stack3A_131 = vector.shape_cast %add3A_126 : vector<128x128xf32> to vector<1x128x128xf32>
      %stack3A_132 = tpu.concatenate %stack3A, %stack3A_131 in 0 : vector<1x128x128xf32>, vector<1x128x128xf32> -> vector<2x128x128xf32>
      %min3A = arith.minimumf %get3A_130, %stack3A_132 : vector<2x128x128xf32>
      %swap3A_133 = arith.constant 0 : index
      %swap3A_134 = arith.constant 0 : index
      %swap3A_135 = arith.constant 0 : index
      %swap3A_136 = vector.load %arg4[%swap3A_133, %swap3A_134, %swap3A_135] : memref<2x128x128xf32, #tpu.memory_space<vmem>>, vector<2x128x128xf32>
      tpu.vector_store %arg4[%swap3A_133, %swap3A_134, %swap3A_135], %min3A {strides = array<i32>} : memref<2x128x128xf32, #tpu.memory_space<vmem>>, vector<2x128x128xf32>,
      %reduce_max3A = arith.constant dense<0xFF800000> : vector<2xf32>
      %reduce_max3A_137 = vector.multi_reduction <maximumf>, %min3A, %reduce_max3A [1, 2] : vector<2x128x128xf32> to vector<2xf32>
      %broadcast_in_dim3A_138 = vector.shape_cast %reduce_max3A_137 : vector<2xf32> to vector<2x1x1xf32>
      %eq3A = vector.broadcast %broadcast_in_dim3A_138 : vector<2x1x1xf32> to vector<2x128x128xf32>
      %eq3A_139 = arith.cmpf oeq, %min3A, %eq3A : vector<2x128x128xf32>
      %broadcast_in_dim3A_140 = vector.shape_cast %add3A : vector<128x128xi32> to vector<1x128x128xi32>
      %jit3A = arith.constant 2147483647 : i32
      %broadcast_in_dim3A_141 = vector.shape_cast %broadcast_in_dim3A_140 : vector<1x128x128xi32> to vector<1x128x128xi32>
      %broadcast_in_dim3A_142 = vector.broadcast %broadcast_in_dim3A_141 : vector<1x128x128xi32> to vector<2x128x128xi32>
      %broadcast_in_dim3A_143 = vector.broadcast %jit3A : i32 to vector<2x128x128xi32>
      %select_n3A = arith.select %eq3A_139, %broadcast_in_dim3A_142, %broadcast_in_dim3A_143 : vector<2x128x128xi1>, vector<2x128x128xi32>
      %reduce_min3A = arith.constant dense<2147483647> : vector<2xi32>
      %reduce_min3A_144 = vector.multi_reduction <minsi>, %select_n3A, %reduce_min3A [1, 2] : vector<2x128x128xi32> to vector<2xi32>
      %slice3A = vector.extract_strided_slice %reduce_min3A_144 {offsets = [0], sizes = [1], strides = [1]} : vector<2xi32> to vector<1xi32>
      %squeeze3A = vector.extract %slice3A[0] : i32 from vector<1xi32>
      %slice3A_145 = vector.extract_strided_slice %reduce_min3A_144 {offsets = [1], sizes = [1], strides = [1]} : vector<2xi32> to vector<1xi32>
      %squeeze3A_146 = vector.extract %slice3A_145[0] : i32 from vector<1xi32>
      scf.yield %squeeze3A, %squeeze3A_146 : i32, i32
    }
    %scan3A_13 = arith.constant 1024 : i32
    return
  }
}

module attributes {stable_mosaic.version = 14 : i64} {
  func.func @_sqd_body(%arg0: i32, %arg1: i32, %arg2: memref<1x128x3xf32, #tpu.memory_space<vmem>>, %arg3: memref<1x3x16384xf32, #tpu.memory_space<vmem>>, %arg4: memref<1x128x16384xf32, #tpu.memory_space<vmem>>) attributes {dimension_semantics = [#tpu.dimension_semantics<arbitrary>, #tpu.dimension_semantics<arbitrary>], iteration_bounds = array<i64: 2, 8>, scalar_prefetch = 0 : i64, scratch_operands = 0 : i64, tpu.core_type = #tpu.core_type<tc>, window_params = [{transform_indices = @transform_0, window_bounds = array<i64: 1, 128, 3>}, {transform_indices = @transform_1, window_bounds = array<i64: 1, 3, 16384>}, {transform_indices = @transform_2, window_bounds = array<i64: 1, 128, 16384>}]} {
    %get3A = arith.constant 0 : index
    %get3A_0 = arith.constant 0 : index
    %get3A_1 = arith.constant 0 : index
    %get3A_2 = vector.load %arg2[%get3A, %get3A_0, %get3A_1] : memref<1x128x3xf32, #tpu.memory_space<vmem>>, vector<1x128x3xf32>
    %get3A_3 = vector.shape_cast %get3A_2 : vector<1x128x3xf32> to vector<128x3xf32>
    %get3A_4 = arith.constant 0 : index
    %get3A_5 = arith.constant 0 : index
    %get3A_6 = arith.constant 0 : index
    %get3A_7 = vector.load %arg3[%get3A_4, %get3A_5, %get3A_6] : memref<1x3x16384xf32, #tpu.memory_space<vmem>>, vector<1x3x16384xf32>
    %get3A_8 = vector.shape_cast %get3A_7 : vector<1x3x16384xf32> to vector<3x16384xf32>
    %mul3A = arith.mulf %get3A_3, %get3A_3 : vector<128x3xf32>
    %reduce_sum3A = arith.constant dense<0.000000e+00> : vector<128xf32>
    %reduce_sum3A_9 = vector.multi_reduction <add>, %mul3A, %reduce_sum3A [1] : vector<128x3xf32> to vector<128xf32>
    %broadcast_in_dim3A = vector.shape_cast %reduce_sum3A_9 : vector<128xf32> to vector<128x1xf32>
    %slice3A = vector.extract_strided_slice %get3A_8 {offsets = [0, 0], sizes = [1, 16384], strides = [1, 1]} : vector<3x16384xf32> to vector<1x16384xf32>
    %squeeze3A = vector.shape_cast %slice3A : vector<1x16384xf32> to vector<16384xf32>
    %slice3A_10 = vector.extract_strided_slice %get3A_8 {offsets = [0, 0], sizes = [1, 16384], strides = [1, 1]} : vector<3x16384xf32> to vector<1x16384xf32>
    %squeeze3A_11 = vector.shape_cast %slice3A_10 : vector<1x16384xf32> to vector<16384xf32>
    %mul3A_12 = arith.mulf %squeeze3A, %squeeze3A_11 : vector<16384xf32>
    %slice3A_13 = vector.extract_strided_slice %get3A_8 {offsets = [1, 0], sizes = [1, 16384], strides = [1, 1]} : vector<3x16384xf32> to vector<1x16384xf32>
    %squeeze3A_14 = vector.shape_cast %slice3A_13 : vector<1x16384xf32> to vector<16384xf32>
    %slice3A_15 = vector.extract_strided_slice %get3A_8 {offsets = [1, 0], sizes = [1, 16384], strides = [1, 1]} : vector<3x16384xf32> to vector<1x16384xf32>
    %squeeze3A_16 = vector.shape_cast %slice3A_15 : vector<1x16384xf32> to vector<16384xf32>
    %mul3A_17 = arith.mulf %squeeze3A_14, %squeeze3A_16 : vector<16384xf32>
    %add3A = arith.addf %mul3A_12, %mul3A_17 : vector<16384xf32>
    %slice3A_18 = vector.extract_strided_slice %get3A_8 {offsets = [2, 0], sizes = [1, 16384], strides = [1, 1]} : vector<3x16384xf32> to vector<1x16384xf32>
    %squeeze3A_19 = vector.shape_cast %slice3A_18 : vector<1x16384xf32> to vector<16384xf32>
    %slice3A_20 = vector.extract_strided_slice %get3A_8 {offsets = [2, 0], sizes = [1, 16384], strides = [1, 1]} : vector<3x16384xf32> to vector<1x16384xf32>
    %squeeze3A_21 = vector.shape_cast %slice3A_20 : vector<1x16384xf32> to vector<16384xf32>
    %mul3A_22 = arith.mulf %squeeze3A_19, %squeeze3A_21 : vector<16384xf32>
    %add3A_23 = arith.addf %add3A, %mul3A_22 : vector<16384xf32>
    %broadcast_in_dim3A_24 = vector.shape_cast %add3A_23 : vector<16384xf32> to vector<1x16384xf32>
    %dot_general3A = arith.constant dense<0.000000e+00> : vector<128x16384xf32>
    %dot_general3A_25 = tpu.matmul %get3A_3, %get3A_8, %dot_general3A {dimension_numbers = #tpu.dot_dimension_numbers<[1], [0], [0], [1], [0, 0, 1, 1], [], []>, transpose_lhs_hint = false} : vector<128x3xf32>, vector<3x16384xf32>, vector<128x16384xf32> -> vector<128x16384xf32>
    %add3A_26 = vector.broadcast %broadcast_in_dim3A : vector<128x1xf32> to vector<128x16384xf32>
    %add3A_27 = vector.broadcast %broadcast_in_dim3A_24 : vector<1x16384xf32> to vector<128x16384xf32>
    %add3A_28 = arith.addf %add3A_26, %add3A_27 : vector<128x16384xf32>
    %mul3A_29 = arith.constant 2.000000e+00 : f32
    %mul3A_30 = vector.broadcast %mul3A_29 : f32 to vector<128x16384xf32>
    %mul3A_31 = arith.mulf %mul3A_30, %dot_general3A_25 : vector<128x16384xf32>
    %sub3A = arith.subf %add3A_28, %mul3A_31 : vector<128x16384xf32>
    %swap3A = arith.constant 0 : index
    %swap3A_32 = arith.constant 0 : index
    %swap3A_33 = arith.constant 0 : index
    %swap3A_34 = vector.load %arg4[%swap3A, %swap3A_32, %swap3A_33] : memref<1x128x16384xf32, #tpu.memory_space<vmem>>, vector<1x128x16384xf32>
    %swap3A_35 = vector.shape_cast %swap3A_34 : vector<1x128x16384xf32> to vector<128x16384xf32>
    %swap3A_36 = vector.shape_cast %sub3A : vector<128x16384xf32> to vector<1x128x16384xf32>
    tpu.vector_store %arg4[%swap3A, %swap3A_32, %swap3A_33], %swap3A_36 {strides = array<i32>} : memref<1x128x16384xf32, #tpu.memory_space<vmem>>, vector<1x128x16384xf32>,
    return
  }
  func.func @transform_0(%arg0: i32, %arg1: i32) -> (i32, i32, i32) {
    %c0_i32 = arith.constant 0 : i32
    %c0_i32_0 = arith.constant 0 : i32
    return %arg0, %arg1, %c0_i32 : i32, i32, i32
  }
  func.func @transform_1(%arg0: i32, %arg1: i32) -> (i32, i32, i32) {
    %c0_i32 = arith.constant 0 : i32
    %c0_i32_0 = arith.constant 0 : i32
    %c0_i32_1 = arith.constant 0 : i32
    return %arg0, %c0_i32, %c0_i32_0 : i32, i32, i32
  }
  func.func @transform_2(%arg0: i32, %arg1: i32) -> (i32, i32, i32) {
    %c0_i32 = arith.constant 0 : i32
    %c0_i32_0 = arith.constant 0 : i32
    return %arg0, %arg1, %c0_i32 : i32, i32, i32
  }
}

module attributes {stable_mosaic.version = 14 : i64} {
  func.func @_mlp_body(%arg0: i32, %arg1: memref<128x64x32xf32, #tpu.memory_space<vmem>>, %arg2: memref<128x32xf32, #tpu.memory_space<vmem>>, %arg3: memref<32x32xf32, #tpu.memory_space<vmem>>, %arg4: memref<1x32xf32, #tpu.memory_space<vmem>>, %arg5: memref<32x64xf32, #tpu.memory_space<vmem>>, %arg6: memref<1x64xf32, #tpu.memory_space<vmem>>, %arg7: memref<128x64xf32, #tpu.memory_space<vmem>>) attributes {dimension_semantics = [#tpu.dimension_semantics<arbitrary>], iteration_bounds = array<i64: 16>, scalar_prefetch = 0 : i64, scratch_operands = 0 : i64, tpu.core_type = #tpu.core_type<tc>, window_params = [{transform_indices = @transform_0, window_bounds = array<i64: 128, 64, 32>}, {transform_indices = @transform_1, window_bounds = array<i64: 128, 32>}, {pipeline_mode = #tpu.pipeline_mode<synchronous>, transform_indices = @transform_2, window_bounds = array<i64: 32, 32>}, {pipeline_mode = #tpu.pipeline_mode<synchronous>, transform_indices = @transform_3, window_bounds = array<i64: 1, 32>}, {pipeline_mode = #tpu.pipeline_mode<synchronous>, transform_indices = @transform_4, window_bounds = array<i64: 32, 64>}, {pipeline_mode = #tpu.pipeline_mode<synchronous>, transform_indices = @transform_5, window_bounds = array<i64: 1, 64>}, {transform_indices = @transform_6, window_bounds = array<i64: 128, 64>}]} {
    %get3A = arith.constant 0 : index
    %get3A_0 = arith.constant 0 : index
    %get3A_1 = arith.constant 0 : index
    %get3A_2 = vector.load %arg1[%get3A, %get3A_0, %get3A_1] : memref<128x64x32xf32, #tpu.memory_space<vmem>>, vector<128x64x32xf32>
    %get3A_3 = arith.constant 0 : index
    %get3A_4 = arith.constant 0 : index
    %get3A_5 = vector.load %arg2[%get3A_3, %get3A_4] : memref<128x32xf32, #tpu.memory_space<vmem>>, vector<128x32xf32>
    %broadcast_in_dim3A = vector.shape_cast %get3A_5 : vector<128x32xf32> to vector<128x1x32xf32>
    %sub3A = vector.broadcast %broadcast_in_dim3A : vector<128x1x32xf32> to vector<128x64x32xf32>
    %sub3A_6 = arith.subf %get3A_2, %sub3A : vector<128x64x32xf32>
    %reshape3A = vector.shape_cast %sub3A_6 : vector<128x64x32xf32> to vector<8192x32xf32>
    %get3A_7 = arith.constant 0 : index
    %get3A_8 = arith.constant 0 : index
    %get3A_9 = vector.load %arg3[%get3A_7, %get3A_8] : memref<32x32xf32, #tpu.memory_space<vmem>>, vector<32x32xf32>
    %dot_general3A = arith.constant dense<0.000000e+00> : vector<8192x32xf32>
    %dot_general3A_10 = tpu.matmul %reshape3A, %get3A_9, %dot_general3A {dimension_numbers = #tpu.dot_dimension_numbers<[1], [0], [0], [1], [0, 0, 1, 1], [], []>, transpose_lhs_hint = false} : vector<8192x32xf32>, vector<32x32xf32>, vector<8192x32xf32> -> vector<8192x32xf32>
    %get3A_11 = arith.constant 0 : index
    %get3A_12 = arith.constant 0 : index
    %get3A_13 = vector.load %arg4[%get3A_11, %get3A_12] : memref<1x32xf32, #tpu.memory_space<vmem>>, vector<1x32xf32>
    %add3A = vector.broadcast %get3A_13 : vector<1x32xf32> to vector<8192x32xf32>
    %add3A_14 = arith.addf %dot_general3A_10, %add3A : vector<8192x32xf32>
    %max3A = arith.constant 0.000000e+00 : f32
    %max3A_15 = vector.broadcast %max3A : f32 to vector<8192x32xf32>
    %max3A_16 = arith.maximumf %add3A_14, %max3A_15 : vector<8192x32xf32>
    %get3A_17 = arith.constant 0 : index
    %get3A_18 = arith.constant 0 : index
    %get3A_19 = vector.load %arg5[%get3A_17, %get3A_18] : memref<32x64xf32, #tpu.memory_space<vmem>>, vector<32x64xf32>
    %dot_general3A_20 = arith.constant dense<0.000000e+00> : vector<8192x64xf32>
    %dot_general3A_21 = tpu.matmul %max3A_16, %get3A_19, %dot_general3A_20 {dimension_numbers = #tpu.dot_dimension_numbers<[1], [0], [0], [1], [0, 0, 1, 1], [], []>, transpose_lhs_hint = false} : vector<8192x32xf32>, vector<32x64xf32>, vector<8192x64xf32> -> vector<8192x64xf32>
    %get3A_22 = arith.constant 0 : index
    %get3A_23 = arith.constant 0 : index
    %get3A_24 = vector.load %arg6[%get3A_22, %get3A_23] : memref<1x64xf32, #tpu.memory_space<vmem>>, vector<1x64xf32>
    %add3A_25 = vector.broadcast %get3A_24 : vector<1x64xf32> to vector<8192x64xf32>
    %add3A_26 = arith.addf %dot_general3A_21, %add3A_25 : vector<8192x64xf32>
    %max3A_27 = arith.constant 0.000000e+00 : f32
    %max3A_28 = vector.broadcast %max3A_27 : f32 to vector<8192x64xf32>
    %max3A_29 = arith.maximumf %add3A_26, %max3A_28 : vector<8192x64xf32>
    %reshape3A_30 = vector.shape_cast %max3A_29 : vector<8192x64xf32> to vector<128x64x64xf32>
    %reduce_max3A = arith.constant dense<0xFF800000> : vector<128x64xf32>
    %reduce_max3A_31 = vector.multi_reduction <maximumf>, %reshape3A_30, %reduce_max3A [1] : vector<128x64x64xf32> to vector<128x64xf32>
    %swap3A = arith.constant 0 : index
    %swap3A_32 = arith.constant 0 : index
    %swap3A_33 = vector.load %arg7[%swap3A, %swap3A_32] : memref<128x64xf32, #tpu.memory_space<vmem>>, vector<128x64xf32>
    tpu.vector_store %arg7[%swap3A, %swap3A_32], %reduce_max3A_31 {strides = array<i32>} : memref<128x64xf32, #tpu.memory_space<vmem>>, vector<128x64xf32>,
    return
  }
  func.func @transform_0(%arg0: i32) -> (i32, i32, i32) {
    %c0_i32 = arith.constant 0 : i32
    %c0_i32_0 = arith.constant 0 : i32
    %c0_i32_1 = arith.constant 0 : i32
    return %arg0, %c0_i32, %c0_i32_0 : i32, i32, i32
  }
  func.func @transform_1(%arg0: i32) -> (i32, i32) {
    %c0_i32 = arith.constant 0 : i32
    %c0_i32_0 = arith.constant 0 : i32
    return %arg0, %c0_i32 : i32, i32
  }
  func.func @transform_2(%arg0: i32) -> (i32, i32) {
    %c0_i32 = arith.constant 0 : i32
    %c0_i32_0 = arith.constant 0 : i32
    %c0_i32_1 = arith.constant 0 : i32
    return %c0_i32, %c0_i32_0 : i32, i32
  }
  func.func @transform_3(%arg0: i32) -> (i32, i32) {
    %c0_i32 = arith.constant 0 : i32
    %c0_i32_0 = arith.constant 0 : i32
    %c0_i32_1 = arith.constant 0 : i32
    return %c0_i32, %c0_i32_0 : i32, i32
  }
  func.func @transform_4(%arg0: i32) -> (i32, i32) {
    %c0_i32 = arith.constant 0 : i32
    %c0_i32_0 = arith.constant 0 : i32
    %c0_i32_1 = arith.constant 0 : i32
    return %c0_i32, %c0_i32_0 : i32, i32
  }
  func.func @transform_5(%arg0: i32) -> (i32, i32) {
    %c0_i32 = arith.constant 0 : i32
    %c0_i32_0 = arith.constant 0 : i32
    %c0_i32_1 = arith.constant 0 : i32
    return %c0_i32, %c0_i32_0 : i32, i32
  }
  func.func @transform_6(%arg0: i32) -> (i32, i32) {
    %c0_i32 = arith.constant 0 : i32
    %c0_i32_0 = arith.constant 0 : i32
    return %arg0, %c0_i32 : i32, i32
  }
}

module attributes {stable_mosaic.version = 14 : i64} {
  func.func @_mlp_body(%arg0: i32, %arg1: memref<256x32x32xf32, #tpu.memory_space<vmem>>, %arg2: memref<256x32xf32, #tpu.memory_space<vmem>>, %arg3: memref<32x32xf32, #tpu.memory_space<vmem>>, %arg4: memref<1x32xf32, #tpu.memory_space<vmem>>, %arg5: memref<32x64xf32, #tpu.memory_space<vmem>>, %arg6: memref<1x64xf32, #tpu.memory_space<vmem>>, %arg7: memref<256x64xf32, #tpu.memory_space<vmem>>) attributes {dimension_semantics = [#tpu.dimension_semantics<arbitrary>], iteration_bounds = array<i64: 8>, scalar_prefetch = 0 : i64, scratch_operands = 0 : i64, tpu.core_type = #tpu.core_type<tc>, window_params = [{transform_indices = @transform_0, window_bounds = array<i64: 256, 32, 32>}, {transform_indices = @transform_1, window_bounds = array<i64: 256, 32>}, {pipeline_mode = #tpu.pipeline_mode<synchronous>, transform_indices = @transform_2, window_bounds = array<i64: 32, 32>}, {pipeline_mode = #tpu.pipeline_mode<synchronous>, transform_indices = @transform_3, window_bounds = array<i64: 1, 32>}, {pipeline_mode = #tpu.pipeline_mode<synchronous>, transform_indices = @transform_4, window_bounds = array<i64: 32, 64>}, {pipeline_mode = #tpu.pipeline_mode<synchronous>, transform_indices = @transform_5, window_bounds = array<i64: 1, 64>}, {transform_indices = @transform_6, window_bounds = array<i64: 256, 64>}]} {
    %get3A = arith.constant 0 : index
    %get3A_0 = arith.constant 0 : index
    %get3A_1 = arith.constant 0 : index
    %get3A_2 = vector.load %arg1[%get3A, %get3A_0, %get3A_1] : memref<256x32x32xf32, #tpu.memory_space<vmem>>, vector<256x32x32xf32>
    %get3A_3 = arith.constant 0 : index
    %get3A_4 = arith.constant 0 : index
    %get3A_5 = vector.load %arg2[%get3A_3, %get3A_4] : memref<256x32xf32, #tpu.memory_space<vmem>>, vector<256x32xf32>
    %broadcast_in_dim3A = vector.shape_cast %get3A_5 : vector<256x32xf32> to vector<256x1x32xf32>
    %sub3A = vector.broadcast %broadcast_in_dim3A : vector<256x1x32xf32> to vector<256x32x32xf32>
    %sub3A_6 = arith.subf %get3A_2, %sub3A : vector<256x32x32xf32>
    %reshape3A = vector.shape_cast %sub3A_6 : vector<256x32x32xf32> to vector<8192x32xf32>
    %get3A_7 = arith.constant 0 : index
    %get3A_8 = arith.constant 0 : index
    %get3A_9 = vector.load %arg3[%get3A_7, %get3A_8] : memref<32x32xf32, #tpu.memory_space<vmem>>, vector<32x32xf32>
    %dot_general3A = arith.constant dense<0.000000e+00> : vector<8192x32xf32>
    %dot_general3A_10 = tpu.matmul %reshape3A, %get3A_9, %dot_general3A {dimension_numbers = #tpu.dot_dimension_numbers<[1], [0], [0], [1], [0, 0, 1, 1], [], []>, transpose_lhs_hint = false} : vector<8192x32xf32>, vector<32x32xf32>, vector<8192x32xf32> -> vector<8192x32xf32>
    %get3A_11 = arith.constant 0 : index
    %get3A_12 = arith.constant 0 : index
    %get3A_13 = vector.load %arg4[%get3A_11, %get3A_12] : memref<1x32xf32, #tpu.memory_space<vmem>>, vector<1x32xf32>
    %add3A = vector.broadcast %get3A_13 : vector<1x32xf32> to vector<8192x32xf32>
    %add3A_14 = arith.addf %dot_general3A_10, %add3A : vector<8192x32xf32>
    %max3A = arith.constant 0.000000e+00 : f32
    %max3A_15 = vector.broadcast %max3A : f32 to vector<8192x32xf32>
    %max3A_16 = arith.maximumf %add3A_14, %max3A_15 : vector<8192x32xf32>
    %get3A_17 = arith.constant 0 : index
    %get3A_18 = arith.constant 0 : index
    %get3A_19 = vector.load %arg5[%get3A_17, %get3A_18] : memref<32x64xf32, #tpu.memory_space<vmem>>, vector<32x64xf32>
    %dot_general3A_20 = arith.constant dense<0.000000e+00> : vector<8192x64xf32>
    %dot_general3A_21 = tpu.matmul %max3A_16, %get3A_19, %dot_general3A_20 {dimension_numbers = #tpu.dot_dimension_numbers<[1], [0], [0], [1], [0, 0, 1, 1], [], []>, transpose_lhs_hint = false} : vector<8192x32xf32>, vector<32x64xf32>, vector<8192x64xf32> -> vector<8192x64xf32>
    %get3A_22 = arith.constant 0 : index
    %get3A_23 = arith.constant 0 : index
    %get3A_24 = vector.load %arg6[%get3A_22, %get3A_23] : memref<1x64xf32, #tpu.memory_space<vmem>>, vector<1x64xf32>
    %add3A_25 = vector.broadcast %get3A_24 : vector<1x64xf32> to vector<8192x64xf32>
    %add3A_26 = arith.addf %dot_general3A_21, %add3A_25 : vector<8192x64xf32>
    %max3A_27 = arith.constant 0.000000e+00 : f32
    %max3A_28 = vector.broadcast %max3A_27 : f32 to vector<8192x64xf32>
    %max3A_29 = arith.maximumf %add3A_26, %max3A_28 : vector<8192x64xf32>
    %reshape3A_30 = vector.shape_cast %max3A_29 : vector<8192x64xf32> to vector<256x32x64xf32>
    %reduce_max3A = arith.constant dense<0xFF800000> : vector<256x64xf32>
    %reduce_max3A_31 = vector.multi_reduction <maximumf>, %reshape3A_30, %reduce_max3A [1] : vector<256x32x64xf32> to vector<256x64xf32>
    %swap3A = arith.constant 0 : index
    %swap3A_32 = arith.constant 0 : index
    %swap3A_33 = vector.load %arg7[%swap3A, %swap3A_32] : memref<256x64xf32, #tpu.memory_space<vmem>>, vector<256x64xf32>
    tpu.vector_store %arg7[%swap3A, %swap3A_32], %reduce_max3A_31 {strides = array<i32>} : memref<256x64xf32, #tpu.memory_space<vmem>>, vector<256x64xf32>,
    return
  }
  func.func @transform_0(%arg0: i32) -> (i32, i32, i32) {
    %c0_i32 = arith.constant 0 : i32
    %c0_i32_0 = arith.constant 0 : i32
    %c0_i32_1 = arith.constant 0 : i32
    return %arg0, %c0_i32, %c0_i32_0 : i32, i32, i32
  }
  func.func @transform_1(%arg0: i32) -> (i32, i32) {
    %c0_i32 = arith.constant 0 : i32
    %c0_i32_0 = arith.constant 0 : i32
    return %arg0, %c0_i32 : i32, i32
  }
  func.func @transform_2(%arg0: i32) -> (i32, i32) {
    %c0_i32 = arith.constant 0 : i32
    %c0_i32_0 = arith.constant 0 : i32
    %c0_i32_1 = arith.constant 0 : i32
    return %c0_i32, %c0_i32_0 : i32, i32
  }
  func.func @transform_3(%arg0: i32) -> (i32, i32) {
    %c0_i32 = arith.constant 0 : i32
    %c0_i32_0 = arith.constant 0 : i32
    %c0_i32_1 = arith.constant 0 : i32
    return %c0_i32, %c0_i32_0 : i32, i32
  }
  func.func @transform_4(%arg0: i32) -> (i32, i32) {
    %c0_i32 = arith.constant 0 : i32
    %c0_i32_0 = arith.constant 0 : i32
    %c0_i32_1 = arith.constant 0 : i32
    return %c0_i32, %c0_i32_0 : i32, i32
  }
  func.func @transform_5(%arg0: i32) -> (i32, i32) {
    %c0_i32 = arith.constant 0 : i32
    %c0_i32_0 = arith.constant 0 : i32
    %c0_i32_1 = arith.constant 0 : i32
    return %c0_i32, %c0_i32_0 : i32, i32
  }
  func.func @transform_6(%arg0: i32) -> (i32, i32) {
    %c0_i32 = arith.constant 0 : i32
    %c0_i32_0 = arith.constant 0 : i32
    return %arg0, %c0_i32 : i32, i32
  }
}

module attributes {stable_mosaic.version = 14 : i64} {
  func.func @_mlp_body(%arg0: i32, %arg1: memref<512x16x32xf32, #tpu.memory_space<vmem>>, %arg2: memref<512x32xf32, #tpu.memory_space<vmem>>, %arg3: memref<32x32xf32, #tpu.memory_space<vmem>>, %arg4: memref<1x32xf32, #tpu.memory_space<vmem>>, %arg5: memref<32x64xf32, #tpu.memory_space<vmem>>, %arg6: memref<1x64xf32, #tpu.memory_space<vmem>>, %arg7: memref<512x64xf32, #tpu.memory_space<vmem>>) attributes {dimension_semantics = [#tpu.dimension_semantics<arbitrary>], iteration_bounds = array<i64: 4>, scalar_prefetch = 0 : i64, scratch_operands = 0 : i64, tpu.core_type = #tpu.core_type<tc>, window_params = [{transform_indices = @transform_0, window_bounds = array<i64: 512, 16, 32>}, {transform_indices = @transform_1, window_bounds = array<i64: 512, 32>}, {pipeline_mode = #tpu.pipeline_mode<synchronous>, transform_indices = @transform_2, window_bounds = array<i64: 32, 32>}, {pipeline_mode = #tpu.pipeline_mode<synchronous>, transform_indices = @transform_3, window_bounds = array<i64: 1, 32>}, {pipeline_mode = #tpu.pipeline_mode<synchronous>, transform_indices = @transform_4, window_bounds = array<i64: 32, 64>}, {pipeline_mode = #tpu.pipeline_mode<synchronous>, transform_indices = @transform_5, window_bounds = array<i64: 1, 64>}, {transform_indices = @transform_6, window_bounds = array<i64: 512, 64>}]} {
    %get3A = arith.constant 0 : index
    %get3A_0 = arith.constant 0 : index
    %get3A_1 = arith.constant 0 : index
    %get3A_2 = vector.load %arg1[%get3A, %get3A_0, %get3A_1] : memref<512x16x32xf32, #tpu.memory_space<vmem>>, vector<512x16x32xf32>
    %get3A_3 = arith.constant 0 : index
    %get3A_4 = arith.constant 0 : index
    %get3A_5 = vector.load %arg2[%get3A_3, %get3A_4] : memref<512x32xf32, #tpu.memory_space<vmem>>, vector<512x32xf32>
    %broadcast_in_dim3A = vector.shape_cast %get3A_5 : vector<512x32xf32> to vector<512x1x32xf32>
    %sub3A = vector.broadcast %broadcast_in_dim3A : vector<512x1x32xf32> to vector<512x16x32xf32>
    %sub3A_6 = arith.subf %get3A_2, %sub3A : vector<512x16x32xf32>
    %reshape3A = vector.shape_cast %sub3A_6 : vector<512x16x32xf32> to vector<8192x32xf32>
    %get3A_7 = arith.constant 0 : index
    %get3A_8 = arith.constant 0 : index
    %get3A_9 = vector.load %arg3[%get3A_7, %get3A_8] : memref<32x32xf32, #tpu.memory_space<vmem>>, vector<32x32xf32>
    %dot_general3A = arith.constant dense<0.000000e+00> : vector<8192x32xf32>
    %dot_general3A_10 = tpu.matmul %reshape3A, %get3A_9, %dot_general3A {dimension_numbers = #tpu.dot_dimension_numbers<[1], [0], [0], [1], [0, 0, 1, 1], [], []>, transpose_lhs_hint = false} : vector<8192x32xf32>, vector<32x32xf32>, vector<8192x32xf32> -> vector<8192x32xf32>
    %get3A_11 = arith.constant 0 : index
    %get3A_12 = arith.constant 0 : index
    %get3A_13 = vector.load %arg4[%get3A_11, %get3A_12] : memref<1x32xf32, #tpu.memory_space<vmem>>, vector<1x32xf32>
    %add3A = vector.broadcast %get3A_13 : vector<1x32xf32> to vector<8192x32xf32>
    %add3A_14 = arith.addf %dot_general3A_10, %add3A : vector<8192x32xf32>
    %max3A = arith.constant 0.000000e+00 : f32
    %max3A_15 = vector.broadcast %max3A : f32 to vector<8192x32xf32>
    %max3A_16 = arith.maximumf %add3A_14, %max3A_15 : vector<8192x32xf32>
    %get3A_17 = arith.constant 0 : index
    %get3A_18 = arith.constant 0 : index
    %get3A_19 = vector.load %arg5[%get3A_17, %get3A_18] : memref<32x64xf32, #tpu.memory_space<vmem>>, vector<32x64xf32>
    %dot_general3A_20 = arith.constant dense<0.000000e+00> : vector<8192x64xf32>
    %dot_general3A_21 = tpu.matmul %max3A_16, %get3A_19, %dot_general3A_20 {dimension_numbers = #tpu.dot_dimension_numbers<[1], [0], [0], [1], [0, 0, 1, 1], [], []>, transpose_lhs_hint = false} : vector<8192x32xf32>, vector<32x64xf32>, vector<8192x64xf32> -> vector<8192x64xf32>
    %get3A_22 = arith.constant 0 : index
    %get3A_23 = arith.constant 0 : index
    %get3A_24 = vector.load %arg6[%get3A_22, %get3A_23] : memref<1x64xf32, #tpu.memory_space<vmem>>, vector<1x64xf32>
    %add3A_25 = vector.broadcast %get3A_24 : vector<1x64xf32> to vector<8192x64xf32>
    %add3A_26 = arith.addf %dot_general3A_21, %add3A_25 : vector<8192x64xf32>
    %max3A_27 = arith.constant 0.000000e+00 : f32
    %max3A_28 = vector.broadcast %max3A_27 : f32 to vector<8192x64xf32>
    %max3A_29 = arith.maximumf %add3A_26, %max3A_28 : vector<8192x64xf32>
    %reshape3A_30 = vector.shape_cast %max3A_29 : vector<8192x64xf32> to vector<512x16x64xf32>
    %reduce_max3A = arith.constant dense<0xFF800000> : vector<512x64xf32>
    %reduce_max3A_31 = vector.multi_reduction <maximumf>, %reshape3A_30, %reduce_max3A [1] : vector<512x16x64xf32> to vector<512x64xf32>
    %swap3A = arith.constant 0 : index
    %swap3A_32 = arith.constant 0 : index
    %swap3A_33 = vector.load %arg7[%swap3A, %swap3A_32] : memref<512x64xf32, #tpu.memory_space<vmem>>, vector<512x64xf32>
    tpu.vector_store %arg7[%swap3A, %swap3A_32], %reduce_max3A_31 {strides = array<i32>} : memref<512x64xf32, #tpu.memory_space<vmem>>, vector<512x64xf32>,
    return
  }
  func.func @transform_0(%arg0: i32) -> (i32, i32, i32) {
    %c0_i32 = arith.constant 0 : i32
    %c0_i32_0 = arith.constant 0 : i32
    %c0_i32_1 = arith.constant 0 : i32
    return %arg0, %c0_i32, %c0_i32_0 : i32, i32, i32
  }
  func.func @transform_1(%arg0: i32) -> (i32, i32) {
    %c0_i32 = arith.constant 0 : i32
    %c0_i32_0 = arith.constant 0 : i32
    return %arg0, %c0_i32 : i32, i32
  }
  func.func @transform_2(%arg0: i32) -> (i32, i32) {
    %c0_i32 = arith.constant 0 : i32
    %c0_i32_0 = arith.constant 0 : i32
    %c0_i32_1 = arith.constant 0 : i32
    return %c0_i32, %c0_i32_0 : i32, i32
  }
  func.func @transform_3(%arg0: i32) -> (i32, i32) {
    %c0_i32 = arith.constant 0 : i32
    %c0_i32_0 = arith.constant 0 : i32
    %c0_i32_1 = arith.constant 0 : i32
    return %c0_i32, %c0_i32_0 : i32, i32
  }
  func.func @transform_4(%arg0: i32) -> (i32, i32) {
    %c0_i32 = arith.constant 0 : i32
    %c0_i32_0 = arith.constant 0 : i32
    %c0_i32_1 = arith.constant 0 : i32
    return %c0_i32, %c0_i32_0 : i32, i32
  }
  func.func @transform_5(%arg0: i32) -> (i32, i32) {
    %c0_i32 = arith.constant 0 : i32
    %c0_i32_0 = arith.constant 0 : i32
    %c0_i32_1 = arith.constant 0 : i32
    return %c0_i32, %c0_i32_0 : i32, i32
  }
  func.func @transform_6(%arg0: i32) -> (i32, i32) {
    %c0_i32 = arith.constant 0 : i32
    %c0_i32_0 = arith.constant 0 : i32
    return %arg0, %c0_i32 : i32, i32
  }
}

</mosaic_0001>

<sc_bundles>
// kernel: kernel.12.cloned.1.call-start
scs
__scs_entry_jumppad:
0x0: {  	(pc) =	sbr.rel $0x88, $3  }
0x1: {  	(tag) =	ssettag $0x0;
	lr =	simm.s32 $0x1  }
0x2: {  	[smem:$0x3F93] =	sst lr;
	_ =	strace $0xD0000000  }
0x3: {  	_ = 	snop  }
0x4: {  	_ = 	snop  }
0x5: {  	_ = 	snop  }
0x6: {  	_ = 	snop  }
0x7: {  	_ = 	snop  }
__scs_overlays_trampoline_lowered:
0x8: {  	[smem:$0x3FA2] =	sst s0  }
0x9: {  	[smem:$0x3FA3] =	sst s1  }
0xa: {  	[smem:$0x3FA4] =	sst s2  }
0xb: {  	[smem:$0x3FA5] =	sst s3  }
0xc: {  	[smem:$0x3FA6] =	sst s4  }
0xd: {  	[smem:$0x3FA7] =	sst s5  }
0xe: {  	[smem:$0x3FA8] =	sst s6  }
0xf: {  	[smem:$0x3FA9] =	sst s7  }
0x10: {  	[smem:$0x3FAA] =	sst s8  }
0x11: {  	[smem:$0x3FAB] =	sst s9;
	s0 =	simm.s32 @!p0 $0x0  }
0x12: {  	s1 =	sld [smem:$0x3F91];
	s0 =	simm.s32 @p0 $0x1  }
0x13: {  	[smem:$0x3FAC] =	sst s0;
	s0 =	simm.s32 @!p1 $0x0  }
0x14: {  	s2 =	sld [smem:$0x3F90];
	s0 =	simm.s32 @p1 $0x1  }
0x15: {  	[smem:$0x3FAD] =	sst s0;
	s0 =	simm.s32 @!p2 $0x0  }
0x16: {  	s3 =	sld [smem:$0x3FDB];
	s0 =	simm.s32 @p2 $0x1  }
0x17: {  	s4 =	simm.s32 $0x1BF5;
	[smem:$0x3FAF] =	sst s0  }
0x18: {  	s0 =	sld [smem:$0x3F92];
	_ =	swait.ge [sflag:s4], $0x0  }
0x19: {  	s7 =	sld [smem:$0x3F93]  }
0x1a: {  	s8 =	sadd.s32 $0xFFFFE003, lr  }
0x1b: {  	s9 =	sadd.s32 $0xFFFFFEF7, lr;
	s5 =	simm.s32 $0xFFFFFFFF;
	p2 =	slt.u32 s8, $0xFFFFF086  }
0x1c: {  	p1 =	slt.u32 s9, $0xF7A;
	s5 =	simm.s32 @!p2 $0x0  }
0x1d: {  	s5 =	simm.s32 @p1 $0x1;
	p0 =	seq.s32 s7, s2  }
0x1e: {  	s7 =	smul.u32 @!p0 $0xF7A, s2;
	p2 =	seq.s32 @!p0 s5, $0x0  }
0x1f: {  	s9 =	smul.u32 $0xF7A, s1;
	s8 =	simm.s32 @!p0 $0x1BF5;
	p2 =	por !p2, p0  }
0x20: {  	[sflag:s8] =	ssyncset.s32 @!p0 $0xFFFFF086;
	s6 =	sadd.s32 @!p0 s3, s7;
	s7 =	simm.s32 @!p0 $0x108  }
0x21: {  	s3 =	sadd.s32 s3, s9;
	s6 =	sadd.s32 @!p0 $0x88, s6;
	s7 =	simm.s32 @p2 $0x1082  }
0x22: {  	[simem:s7], [sflag:s8] =	dma.local @!p0 [hbm:s6], $0xF7A  }
0x23: {  	s9 =	sor.u32 $0xD0000000, s2;
	s6 =	simm.s32 $0x108;
	_ =	swait.ge @!p0 [sflag:s8], $0x0  }
0x24: {  	s3 =	sadd.s32 $0x88, s3;
	s6 =	simm.s32 @!p1 $0x1082;
	[sflag:s4] =	ssyncset.s32 $0xFFFFF086  }
0x25: {  	[simem:s6], [sflag:s4] =	dma.local [hbm:s3], $0xF7A  }
0x26: {  	[smem:$0x3F93] =	sst s1;
	(tag) =	ssettag s2;
	_ =	strace s9  }
0x27: {  	s1 =	sld [smem:$0x3FA3]  }
0x28: {  	s2 =	sld [smem:$0x3FA4]  }
0x29: {  	s4 =	sld [smem:$0x3FA6]  }
0x2a: {  	p0 =	seq.s32 s5, $0x0;
	s5 =	sld [smem:$0x3FA7]  }
0x2b: {  	s6 =	sld [smem:$0x3FA8]  }
0x2c: {  	s7 =	sld [smem:$0x3FA9]  }
0x2d: {  	s3 =	simm.s32 $0x108;
	s8 =	sld [smem:$0x3FAA]  }
0x2e: {  	s3 =	simm.s32 @!p0 $0x1082;
	s9 =	sld [smem:$0x3FAB]  }
0x2f: {  	lr =	sadd.s32 s0, s3;
	s0 =	sld [smem:$0x3FA2]  }
0x30: {  	s3 =	sld [smem:$0x3FA5]  }
0x31: {  	[smem:$0x3FAE] =	sst s10  }
0x32: {  	s10 =	sld [smem:$0x3FAC];
	_ =	sdelay $0x3  }
0x33: {  	p0 =	seq.s32 s10, $0x1;
	s10 =	sld [smem:$0x3FAE];
	_ =	sdelay $0x3  }
0x34: {  	[smem:$0x3FAE] =	sst s10  }
0x35: {  	s10 =	sld [smem:$0x3FAD];
	_ =	sdelay $0x3  }
0x36: {  	p1 =	seq.s32 s10, $0x1;
	s10 =	sld [smem:$0x3FAE];
	_ =	sdelay $0x3  }
0x37: {  	[smem:$0x3FAE] =	sst s10  }
0x38: {  	s10 =	sld [smem:$0x3FAF]  }
0x39: {  	_ = 	snop;
	(pc) =	sbr.ind lr, $3  }
0x3a: {  	_ = 	snop  }
0x3b: {  	_ = 	snop  }
0x3c: {  	p2 =	seq.s32 s10, $0x1;
	s10 =	sld [smem:$0x3FAE]  }
0x3d: {  	_ =	shalt  }
0x3e: {  	_ =	shalt  }
0x3f: {  	_ =	shalt  }
0x40: {  	_ =	shalt  }
0x41: {  	_ =	shalt  }
0x42: {  	_ =	shalt  }
0x43: {  	_ =	shalt  }
0x44: {  	_ =	shalt  }
0x45: {  	_ =	shalt  }
0x46: {  	_ =	shalt  }
0x47: {  	_ =	shalt  }
0x48: {  	_ =	shalt  }
0x49: {  	_ =	shalt  }
0x4a: {  	_ =	shalt  }
0x4b: {  	_ =	shalt  }
0x4c: {  	_ =	shalt  }
0x4d: {  	_ =	shalt  }
0x4e: {  	_ =	shalt  }
0x4f: {  	_ =	shalt  }
0x50: {  	_ =	shalt  }
0x51: {  	_ =	shalt  }
0x52: {  	_ =	shalt  }
0x53: {  	_ =	shalt  }
0x54: {  	_ =	shalt  }
0x55: {  	_ =	shalt  }
0x56: {  	_ =	shalt  }
0x57: {  	_ =	shalt  }
0x58: {  	_ =	shalt  }
0x59: {  	_ =	shalt  }
0x5a: {  	_ =	shalt  }
0x5b: {  	_ =	shalt  }
0x5c: {  	_ =	shalt  }
0x5d: {  	_ =	shalt  }
0x5e: {  	_ =	shalt  }
0x5f: {  	_ =	shalt  }
0x60: {  	_ =	shalt  }
0x61: {  	_ =	shalt  }
0x62: {  	_ =	shalt  }
0x63: {  	_ =	shalt  }
0x64: {  	_ =	shalt  }
0x65: {  	_ =	shalt  }
0x66: {  	_ =	shalt  }
0x67: {  	_ =	shalt  }
0x68: {  	_ =	shalt  }
0x69: {  	_ =	shalt  }
0x6a: {  	_ =	shalt  }
0x6b: {  	_ =	shalt  }
0x6c: {  	_ =	shalt  }
0x6d: {  	_ =	shalt  }
0x6e: {  	_ =	shalt  }
0x6f: {  	_ =	shalt  }
0x70: {  	_ =	shalt  }
0x71: {  	_ =	shalt  }
0x72: {  	_ =	shalt  }
0x73: {  	_ =	shalt  }
0x74: {  	_ =	shalt  }
0x75: {  	_ =	shalt  }
0x76: {  	_ =	shalt  }
0x77: {  	_ =	shalt  }
0x78: {  	_ =	shalt  }
0x79: {  	_ =	shalt  }
0x7a: {  	_ =	shalt  }
0x7b: {  	_ =	shalt  }
0x7c: {  	_ =	shalt  }
0x7d: {  	_ =	shalt  }
0x7e: {  	_ =	shalt  }
0x7f: {  	_ =	shalt  }
0x80: {  	_ =	shalt  }
0x81: {  	_ =	shalt  }
0x82: {  	_ =	shalt  }
0x83: {  	_ =	shalt  }
0x84: {  	_ =	shalt  }
0x85: {  	_ =	shalt  }
0x86: {  	_ =	shalt  }
0x87: {  	_ =	shalt  }
.Lfunc_end0:
.L_simem_size_0:
called_computation.2_lowered:
.L_overlay_start_0:
0x88: {  	s2 =	sld [smem:$0x3FD9]  }
0x89: {  	s3 =	sld [smem:$0x3FFE];
	_ =	sdelay $0x1  }
0x8a: {  	s1 =	srdreg.scid  }
0x8b: {  	s0 =	sand.u32 $0x1, s1  }
0x8c: {  	s16 =	sshll.u32 s0, $0xA;
	s2 =	sadd.s32 s3, s2  }
0x8d: {  	s2 =	sadd.s32 s2, s16  }
0x8e: {  	[smem:$0x3FBA] =	sst s2  }
0x8f: {  	_ = 	snop  }
0x90: {  	(tm) =	ssettm $0x1  }
0x91: {  	s17 =	sld [smem:$0x3FFB];
	_ =	sdelay $0x3  }
0x92: {  	_ =	strace s17  }
0x93: {  	s2 =	sld [smem:$0x3FFC];
	_ =	sdelay $0x3  }
0x94: {  	_ =	strace s2  }
0x95: {  	s2 =	sld [smem:$0x3FFD];
	_ =	sdelay $0x3  }
0x96: {  	_ =	strace s2  }
0x97: {  	_ =	strace $0x8FFFFFFF  }
0x98: {  	s18 =	sld [smem:$0x3FDB];
	_ =	sdelay $0x1  }
0x99: {  	s19 =	simm.s32 $_scs_section_size  }
0x9a: {  	s4 =	simm.s32 $_size__tile_overlayer_lowered;
	s5 =	simm.s32 $_tile_overlayer_lowered  }
0x9b: {  	s22 =	simm.s32 $0x1BFF;
	s21 =	sshll.u32 s5, $0x1;
	s2 =	sadd.s32 s19, s18  }
0x9c: {  	s6 =	simm.s32 $0x0;
	s20 =	sshll.u32 s4, $0x1;
	s4 =	sadd.s32 s21, s2  }
0x9d: {  	[timem:s6], [sflag:s22] =	dma.local [hbm:s4], s20  }
0x9e: {  	_ =	swait.ge [sflag:s22], s20  }
0x9f: {  	s3 =	ssub.s32 $0x0, s20;
	[sflag:s22] =	ssyncset.done $0x0  }
0xa0: {  	[sflag:s22] =	ssyncadd.s32 s3;
	_ =	sdelay $0x1  }
0xa1: {  	s23 =	simm.s32 $0x1B8B  }
0xa2: {  	_ =	swait.ge [sflag:s23], $0x1  }
0xa3: {  	[sflag:s23] =	ssyncset.done $0x0  }
0xa4: {  	s25 =	simm.s32 $0x1B8E;
	s24 =	sld [smem:$0x3FFE];
	[sflag:s23] =	ssyncadd.s32 $0xFFFFFFFF  }
0xa5: {  	s26 =	simm.s32 $execute0_lowered;
	[smem:$0x3FD2] =	sst s25  }
0xa6: {  	s4 =	sshll.u32 s26, $0x1;
	_ =	strace $0x8000004C;
	[dreg:$0x1] =	wrdreg $0xFFFFFFFF  }
0xa7: {  	s28 =	simm.s32 $_size_execute0_lowered;
	s2 =	sadd.s32 s2, s4;
	[dreg:$0x0] =	wrdreg $0x0  }
0xa8: {  	s4 =	sshll.u32 s28, $0x1;
	[dreg:$0x2] =	wrdreg s2  }
0xa9: {  	[dreg:$0x3] =	wrdreg s4  }
0xaa: {  	[dreg:$0x4] =	wrdreg $0xC0  }
0xab: {  	_ =	task [dreg:s6], $0x5FFFF  }
0xac: {  	[dreg:$0x1] =	wrdreg $0xFFFFFFFF  }
0xad: {  	[dreg:$0x0] =	wrdreg $0x60  }
0xae: {  	[dreg:$0x2] =	wrdreg s24  }
0xaf: {  	[dreg:$0x3] =	wrdreg $0x9  }
0xb0: {  	_ =	task.clear_ibuf [dreg:s6], $0x4FFFF;
	_ =	strace $0x9000004C  }
0xb1: {  	s29 =	simm.s32 $0x9;
	_ =	strace $0x8000004E  }
0xb2: {  	_ =	swait.ge [sflag:s29], $0x1  }
0xb3: {  	[sflag:s29] =	ssyncadd.s32 $0xFFFFFFFF  }
0xb4: {  	_ =	strace $0x9000004E  }
0xb5: {  	_ =	sfence  }
0xb6: {  	s30 =	sld [smem:$0x0];
	_ =	sdelay $0x2  }
0xb7: {  	s31 =	sshll.u32 s1, $0xD;
	s1 =	sshrl.u32 s1, $0x2  }
0xb8: {  	s3 =	sand.u32 $0x4000, s31;
	s1 =	sadd.s32 s1, s30  }
0xb9: {  	s0 =	sor.u32 s3, s0;
	s1 =	sshll.u32 s1, $0x11  }
0xba: {  	s0 =	sor.u32 s1, s0  }
0xbb: {  	s0 =	sadd.s32 $0x8F2B, s0  }
0xbc: {  	[sflag:s0] =	ssyncadd.remote.s32 $0x1  }
0xbd: {  	_ =	sfence.sel $0xFFFF  }
0xbe: {  	[dreg:$0x0] =	wrdreg $0xFFFFFFFF;
	(pc) =	sbr.abs _section_cstart, $3  }
0xbf: {  	[dreg:$0x1] =	wrdreg $0xFFFFFFFF  }
0xc0: {  	_ =	task.clear_ibuf [dreg:s6], $0x2FFFF;
	_ =	strace $0x9FFFFFFF  }
0xc1: {  	(tm) =	ssettm $0x7FFFFFFF  }
tec
execute0_lowered:
.L_overlay_start_1:
0x0: {  	(tag) =	ssettag $0x1  }
0x1: {  	s6 =	rddreg [dreg:$0x0]  }
0x2: {  	s0 =	rddreg [dreg:$0x1];
	s2 =	simm.s32 $0x0  }
0x3: {  	s3 =	srdreg.scid;
	s1 =	stileid.u32;
	s11 =	simm.s32 $0x1  }
0x4: {  	s12 =	simm.s32 $0x80;
	s13 =	simm.s32 $0x0;
	[smem:$0x7FF] =	sst s2  }
0x5: {  	s4 =	sand.u32 $0x1, s3;
	s7 =	smul.u32 $0x70000, s1;
	s29 =	sshll.u32 s1, $0x1  }
0x6: {  	s3 =	sadd.s32 $0xA400, s6;
	s8 =	smul.u32 $0x38000, s4;
	s5 =	sor.u32 s4, s29  }
0x7: {  	_ =	strace $0x8000004D;
	s9 =	ssub.s32 $0x2, s4;
	s4 =	smul.u32 $0x1C00, s5  }
0x8: {  	s5 =	sadd.s32 $0x2A400, s6;
	s30 =	sshrl.u32 s9, $0x1;
	s7 =	sadd.s32 s8, s7  }
0x9: {  	s8 =	ssub.s32 s9, s30;
	s7 =	sshrl.u32 s7, $0x3;
	s31 =	sshrl.u32 s4, $0x3  }
0xa: {  	s9 =	simm.s32 $0x2;
	s10 =	sadd.s32 s7, s6;
	s6 =	sadd.s32 s5, s31  }
0xb: {  	s7 =	smax.u32 s8, $0x1;
	s8 =	sadd.s32 $0x31400, s10;
	s10 =	simm.s32 $0x100  }
.LBB2_1:
0xc: {  	[tilespmem:s2], [sflag:$0x2] =	stream.linear.gather [hbm4b:s6+s2], $0x80, $0x38;
	[tilespmem:$0x2100] =	vst v63  }
0xd: {  	_ =	swait.ge [sflag:s9], $0x80  }
0xe: {  	s14 =	smin.u32 s11, $0x37;
	[sflag:s9] =	ssyncset.done $0x0  }
0xf: {  	s14 =	sshll.u32 s14, $0x7;
	[sflag:s9] =	ssyncadd.s32 $0xFFFFFF80  }
0x10: {  	[tilespmem:s10], [sflag:$0x1] =	stream.indirect.gather [hbm4b:s3+s12], $0x20, s2, s12, $0xb8;
	[tilespmem:$0x2100] =	vst v63  }
0x11: {  	s14 =	sadd.s32 s4, s14;
	_ =	swait.ge [sflag:s11], $0x1000  }
0x12: {  	s14 =	sshrl.u32 s14, $0x3;
	[sflag:s11] =	ssyncset.done $0x0  }
0x13: {  	s15 =	sand.u32 $0x80, s12;
	s14 =	sadd.s32 s5, s14;
	[sflag:s11] =	ssyncadd.s32 $0xFFFFF000  }
0x14: {  	[tilespmem:s15], [sflag:$0x2] =	stream.linear.gather [hbm4b:s14+s2], $0x80, $0x38;
	[tilespmem:$0x2100] =	vst v63  }
0x15: {  	_ =	swait.ge [sflag:s9], $0x80  }
0x16: {  	s30 =	sshll.u32 s15, $0x5;
	[sflag:s9] =	ssyncset.done $0x0  }
0x17: {  	s16 =	sand.u32 $0x1000, s2;
	s14 =	sor.u32 $0x100, s30;
	[sflag:s9] =	ssyncadd.s32 $0xFFFFFF80  }
0x18: {  	[tilespmem:s14], [sflag:$0x1] =	stream.indirect.gather [hbm4b:s3+s12], $0x20, s15, s12, $0xb8;
	[tilespmem:$0x2100] =	vst v63  }
0x19: {  	s17 =	simm.s32 $0x180;
	s31 =	sor.u32 $0x100, s16  }
0x1a: {  	[hbm4b:s8+s2] =	stream.linear.scatter [tilespmem:s31], [sflag:$0x2], $0x1000, $0x38;
	[tilespmem:$0x2100] =	vst v63  }
0x1b: {  	s18 =	simm.s32 $0x2;
	s16 =	simm.s32 $0x100;
	_ =	swait.ge [sflag:s9], $0x1000  }
0x1c: {  	s15 =	simm.s32 $0x1000;
	s14 =	smov.u32 s8;
	[sflag:s9] =	ssyncset.done $0x0  }
.LBB2_2:
0x1d: {  	s19 =	smin.u32 s18, $0x37  }
0x1e: {  	[sflag:s9] =	ssyncadd.s32 $0xFFFFF000;
	s14 =	sadd.s32 $0x200, s14;
	s20 =	smov.u32 s17  }
0x1f: {  	p0 =	sne.s32 s17, $0x1C00;
	s17 =	sadd.s32 $0x80, s17;
	s19 =	sshll.u32 s19, $0x7  }
0x20: {  	_ =	swait.ge [sflag:s11], $0x1000;
	s19 =	sadd.s32 s4, s19  }
0x21: {  	[sflag:s11] =	ssyncset.done $0x0;
	s19 =	sshrl.u32 s19, $0x3  }
0x22: {  	s21 =	sand.u32 $0x80, s16;
	[sflag:s11] =	ssyncadd.s32 $0xFFFFF000;
	s16 =	sadd.s32 s5, s19  }
0x23: {  	[tilespmem:s21], [sflag:$0x2] =	stream.linear.gather [hbm4b:s16+s2], $0x80, $0x38;
	[tilespmem:$0x2100] =	vst v63  }
0x24: {  	s19 =	sshll.u32 s21, $0x5;
	s16 =	smov.u32 s20;
	_ =	swait.ge [sflag:s9], $0x80  }
0x25: {  	[sflag:s9] =	ssyncset.done $0x0  }
0x26: {  	s20 =	sand.u32 $0x1000, s15;
	s19 =	sor.u32 $0x100, s19;
	[sflag:s9] =	ssyncadd.s32 $0xFFFFFF80  }
0x27: {  	[tilespmem:s19], [sflag:$0x1] =	stream.indirect.gather [hbm4b:s3+s12], $0x20, s21, s12, $0xb8;
	[tilespmem:$0x2100] =	vst v63  }
.Ltmp0:
0x28: {  	_ = 	snop;
	(pc) =	sbr.rel @p0 .LBB2_2-.Ltmp0, $4  }
0x29: {  	s19 =	sor.u32 $0x100, s20  }
0x2a: {  	[hbm4b:s14+s2] =	stream.linear.scatter [tilespmem:s19], [sflag:$0x2], $0x1000, $0x38;
	[tilespmem:$0x2100] =	vst v63  }
0x2b: {  	_ =	swait.ge [sflag:s9], $0x1000  }
0x2c: {  	s18 =	sadd.s32 $0x1, s18;
	s15 =	sadd.s32 $0x1000, s15;
	[sflag:s9] =	ssyncset.done $0x0  }
0x2d: {  	s17 =	smin.u32 s18, $0x37  }
0x2e: {  	[sflag:s9] =	ssyncadd.s32 $0xFFFFF000;
	s17 =	sshll.u32 s17, $0x7  }
0x2f: {  	_ =	swait.ge [sflag:s11], $0x1000;
	s17 =	sadd.s32 s4, s17  }
0x30: {  	[sflag:s11] =	ssyncset.done $0x0;
	s17 =	sshrl.u32 s17, $0x3  }
0x31: {  	s16 =	sand.u32 $0x80, s16;
	[sflag:s11] =	ssyncadd.s32 $0xFFFFF000;
	s17 =	sadd.s32 s5, s17  }
0x32: {  	[tilespmem:s16], [sflag:$0x2] =	stream.linear.gather [hbm4b:s17+s2], $0x80, $0x38;
	[tilespmem:$0x2100] =	vst v63  }
0x33: {  	_ =	swait.ge [sflag:s9], $0x80  }
0x34: {  	s31 =	sshll.u32 s16, $0x5;
	[sflag:s9] =	ssyncset.done $0x0  }
0x35: {  	s15 =	sand.u32 $0x1000, s15;
	s17 =	sor.u32 $0x100, s31;
	[sflag:s9] =	ssyncadd.s32 $0xFFFFFF80  }
0x36: {  	[tilespmem:s17], [sflag:$0x1] =	stream.indirect.gather [hbm4b:s3+s12], $0x20, s16, s12, $0xb8;
	[tilespmem:$0x2100] =	vst v63  }
0x37: {  	s14 =	sadd.s32 $0x200, s14;
	s13 =	sadd.s32 $0x1, s13;
	s15 =	sor.u32 $0x100, s15  }
0x38: {  	[hbm4b:s14+s2] =	stream.linear.scatter [tilespmem:s15], [sflag:$0x2], $0x1000, $0x38;
	[tilespmem:$0x2100] =	vst v63  }
0x39: {  	p0 =	sne.s32 s13, s7;
	_ =	swait.ge [sflag:s9], $0x1000  }
.Ltmp1:
0x3a: {  	[sflag:s9] =	ssyncset.done $0x0;
	(pc) =	sbr.rel @p0 .LBB2_1-.Ltmp1, $4  }
0x3b: {  	[sflag:s9] =	ssyncadd.s32 $0xFFFFF000  }
0x3c: {  	_ =	swait.ge [sflag:s11], $0x1000  }
0x3d: {  	[sflag:s11] =	ssyncset.done $0x0  }
0x3e: {  	[sflag:s11] =	ssyncadd.s32 $0xFFFFF000  }
0x3f: {  	_ =	sfence.sel $0x180000  }
0x40: {  	[bflag:$0x0] =	sbarrier.arrive $0xFFFF  }
0x41: {  	p0 =	sne.s32 s1, $0x0;
	_ =	strace $0x9000004D  }
0x42: {  	s0 =	sadd.s32 @!p0 $0x100000, s0;
	[bflag:$0x2] =	sbarrier.arrive $0xFFFF  }
0x43: {  	[sflag:s0] =	ssyncadd.tile.s32 @!p0 $0x1;
	_ =	shalt  }
.Lfunc_end2:
_tile_overlayer_lowered:
.L_overlay_start_2:
0x44: {  	(tag) =	ssettag $0x2  }
0x45: {  	s0 =	rddreg [dreg:$0x0];
	s2 =	stileid.u32  }
0x46: {  	s1 =	rddreg [dreg:$0x1];
	p0 =	sne.s32 s2, $0x0  }
0x47: {  	s3 =	rddreg [dreg:$0x2];
	[bflag:$0x3] =	sbarrier.arrive $0xFFFF;
	s2 =	simm.s32 @!p0 $0x1C02  }
0x48: {  	[timem:s3], [sflag:s2] =	dma.local @!p0 [hbm:s0], s1  }
0x49: {  	s0 =	simm.s32 @!p0 $0x2  }
0x4a: {  	_ =	swait.ge @!p0 [sflag:s0], s1  }
0x4b: {  	s1 =	ssub.s32 @!p0 $0x0, s1;
	[sflag:s0] =	ssyncset.done @!p0 $0x0  }
0x4c: {  	[sflag:s0] =	ssyncadd.s32 @!p0 s1  }
0x4d: {  	[bflag:$0x3] =	sbarrier.arrive $0xFFFF  }
0x4e: {  	_ =	shalt  }

// kernel: kernel.9.cloned.1.call-start
scs
__scs_entry_jumppad:
0x0: {  	(pc) =	sbr.rel $0x88, $3  }
0x1: {  	(tag) =	ssettag $0x0;
	lr =	simm.s32 $0x1  }
0x2: {  	[smem:$0x3F93] =	sst lr;
	_ =	strace $0xD0000000  }
0x3: {  	_ = 	snop  }
0x4: {  	_ = 	snop  }
0x5: {  	_ = 	snop  }
0x6: {  	_ = 	snop  }
0x7: {  	_ = 	snop  }
__scs_overlays_trampoline_lowered:
0x8: {  	[smem:$0x3FA2] =	sst s0  }
0x9: {  	[smem:$0x3FA3] =	sst s1  }
0xa: {  	[smem:$0x3FA4] =	sst s2  }
0xb: {  	[smem:$0x3FA5] =	sst s3  }
0xc: {  	[smem:$0x3FA6] =	sst s4  }
0xd: {  	[smem:$0x3FA7] =	sst s5  }
0xe: {  	[smem:$0x3FA8] =	sst s6  }
0xf: {  	[smem:$0x3FA9] =	sst s7  }
0x10: {  	[smem:$0x3FAA] =	sst s8  }
0x11: {  	[smem:$0x3FAB] =	sst s9;
	s0 =	simm.s32 @!p0 $0x0  }
0x12: {  	s1 =	sld [smem:$0x3F91];
	s0 =	simm.s32 @p0 $0x1  }
0x13: {  	[smem:$0x3FAC] =	sst s0;
	s0 =	simm.s32 @!p1 $0x0  }
0x14: {  	s2 =	sld [smem:$0x3F90];
	s0 =	simm.s32 @p1 $0x1  }
0x15: {  	[smem:$0x3FAD] =	sst s0;
	s0 =	simm.s32 @!p2 $0x0  }
0x16: {  	s3 =	sld [smem:$0x3FDB];
	s0 =	simm.s32 @p2 $0x1  }
0x17: {  	s4 =	simm.s32 $0x1BF5;
	[smem:$0x3FAF] =	sst s0  }
0x18: {  	s0 =	sld [smem:$0x3F92];
	_ =	swait.ge [sflag:s4], $0x0  }
0x19: {  	s7 =	sld [smem:$0x3F93]  }
0x1a: {  	s8 =	sadd.s32 $0xFFFFE003, lr  }
0x1b: {  	s9 =	sadd.s32 $0xFFFFFEF7, lr;
	s5 =	simm.s32 $0xFFFFFFFF;
	p2 =	slt.u32 s8, $0xFFFFF086  }
0x1c: {  	p1 =	slt.u32 s9, $0xF7A;
	s5 =	simm.s32 @!p2 $0x0  }
0x1d: {  	s5 =	simm.s32 @p1 $0x1;
	p0 =	seq.s32 s7, s2  }
0x1e: {  	s7 =	smul.u32 @!p0 $0xF7A, s2;
	p2 =	seq.s32 @!p0 s5, $0x0  }
0x1f: {  	s9 =	smul.u32 $0xF7A, s1;
	s8 =	simm.s32 @!p0 $0x1BF5;
	p2 =	por !p2, p0  }
0x20: {  	[sflag:s8] =	ssyncset.s32 @!p0 $0xFFFFF086;
	s6 =	sadd.s32 @!p0 s3, s7;
	s7 =	simm.s32 @!p0 $0x108  }
0x21: {  	s3 =	sadd.s32 s3, s9;
	s6 =	sadd.s32 @!p0 $0x88, s6;
	s7 =	simm.s32 @p2 $0x1082  }
0x22: {  	[simem:s7], [sflag:s8] =	dma.local @!p0 [hbm:s6], $0xF7A  }
0x23: {  	s9 =	sor.u32 $0xD0000000, s2;
	s6 =	simm.s32 $0x108;
	_ =	swait.ge @!p0 [sflag:s8], $0x0  }
0x24: {  	s3 =	sadd.s32 $0x88, s3;
	s6 =	simm.s32 @!p1 $0x1082;
	[sflag:s4] =	ssyncset.s32 $0xFFFFF086  }
0x25: {  	[simem:s6], [sflag:s4] =	dma.local [hbm:s3], $0xF7A  }
0x26: {  	[smem:$0x3F93] =	sst s1;
	(tag) =	ssettag s2;
	_ =	strace s9  }
0x27: {  	s1 =	sld [smem:$0x3FA3]  }
0x28: {  	s2 =	sld [smem:$0x3FA4]  }
0x29: {  	s4 =	sld [smem:$0x3FA6]  }
0x2a: {  	p0 =	seq.s32 s5, $0x0;
	s5 =	sld [smem:$0x3FA7]  }
0x2b: {  	s6 =	sld [smem:$0x3FA8]  }
0x2c: {  	s7 =	sld [smem:$0x3FA9]  }
0x2d: {  	s3 =	simm.s32 $0x108;
	s8 =	sld [smem:$0x3FAA]  }
0x2e: {  	s3 =	simm.s32 @!p0 $0x1082;
	s9 =	sld [smem:$0x3FAB]  }
0x2f: {  	lr =	sadd.s32 s0, s3;
	s0 =	sld [smem:$0x3FA2]  }
0x30: {  	s3 =	sld [smem:$0x3FA5]  }
0x31: {  	[smem:$0x3FAE] =	sst s10  }
0x32: {  	s10 =	sld [smem:$0x3FAC];
	_ =	sdelay $0x3  }
0x33: {  	p0 =	seq.s32 s10, $0x1;
	s10 =	sld [smem:$0x3FAE];
	_ =	sdelay $0x3  }
0x34: {  	[smem:$0x3FAE] =	sst s10  }
0x35: {  	s10 =	sld [smem:$0x3FAD];
	_ =	sdelay $0x3  }
0x36: {  	p1 =	seq.s32 s10, $0x1;
	s10 =	sld [smem:$0x3FAE];
	_ =	sdelay $0x3  }
0x37: {  	[smem:$0x3FAE] =	sst s10  }
0x38: {  	s10 =	sld [smem:$0x3FAF]  }
0x39: {  	_ = 	snop;
	(pc) =	sbr.ind lr, $3  }
0x3a: {  	_ = 	snop  }
0x3b: {  	_ = 	snop  }
0x3c: {  	p2 =	seq.s32 s10, $0x1;
	s10 =	sld [smem:$0x3FAE]  }
0x3d: {  	_ =	shalt  }
0x3e: {  	_ =	shalt  }
0x3f: {  	_ =	shalt  }
0x40: {  	_ =	shalt  }
0x41: {  	_ =	shalt  }
0x42: {  	_ =	shalt  }
0x43: {  	_ =	shalt  }
0x44: {  	_ =	shalt  }
0x45: {  	_ =	shalt  }
0x46: {  	_ =	shalt  }
0x47: {  	_ =	shalt  }
0x48: {  	_ =	shalt  }
0x49: {  	_ =	shalt  }
0x4a: {  	_ =	shalt  }
0x4b: {  	_ =	shalt  }
0x4c: {  	_ =	shalt  }
0x4d: {  	_ =	shalt  }
0x4e: {  	_ =	shalt  }
0x4f: {  	_ =	shalt  }
0x50: {  	_ =	shalt  }
0x51: {  	_ =	shalt  }
0x52: {  	_ =	shalt  }
0x53: {  	_ =	shalt  }
0x54: {  	_ =	shalt  }
0x55: {  	_ =	shalt  }
0x56: {  	_ =	shalt  }
0x57: {  	_ =	shalt  }
0x58: {  	_ =	shalt  }
0x59: {  	_ =	shalt  }
0x5a: {  	_ =	shalt  }
0x5b: {  	_ =	shalt  }
0x5c: {  	_ =	shalt  }
0x5d: {  	_ =	shalt  }
0x5e: {  	_ =	shalt  }
0x5f: {  	_ =	shalt  }
0x60: {  	_ =	shalt  }
0x61: {  	_ =	shalt  }
0x62: {  	_ =	shalt  }
0x63: {  	_ =	shalt  }
0x64: {  	_ =	shalt  }
0x65: {  	_ =	shalt  }
0x66: {  	_ =	shalt  }
0x67: {  	_ =	shalt  }
0x68: {  	_ =	shalt  }
0x69: {  	_ =	shalt  }
0x6a: {  	_ =	shalt  }
0x6b: {  	_ =	shalt  }
0x6c: {  	_ =	shalt  }
0x6d: {  	_ =	shalt  }
0x6e: {  	_ =	shalt  }
0x6f: {  	_ =	shalt  }
0x70: {  	_ =	shalt  }
0x71: {  	_ =	shalt  }
0x72: {  	_ =	shalt  }
0x73: {  	_ =	shalt  }
0x74: {  	_ =	shalt  }
0x75: {  	_ =	shalt  }
0x76: {  	_ =	shalt  }
0x77: {  	_ =	shalt  }
0x78: {  	_ =	shalt  }
0x79: {  	_ =	shalt  }
0x7a: {  	_ =	shalt  }
0x7b: {  	_ =	shalt  }
0x7c: {  	_ =	shalt  }
0x7d: {  	_ =	shalt  }
0x7e: {  	_ =	shalt  }
0x7f: {  	_ =	shalt  }
0x80: {  	_ =	shalt  }
0x81: {  	_ =	shalt  }
0x82: {  	_ =	shalt  }
0x83: {  	_ =	shalt  }
0x84: {  	_ =	shalt  }
0x85: {  	_ =	shalt  }
0x86: {  	_ =	shalt  }
0x87: {  	_ =	shalt  }
.Lfunc_end0:
.L_simem_size_0:
called_computation.1_lowered:
.L_overlay_start_0:
0x88: {  	s2 =	sld [smem:$0x3FD9]  }
0x89: {  	s3 =	sld [smem:$0x3FFE];
	_ =	sdelay $0x1  }
0x8a: {  	s1 =	srdreg.scid  }
0x8b: {  	s0 =	sand.u32 $0x1, s1  }
0x8c: {  	s16 =	sshll.u32 s0, $0xA;
	s2 =	sadd.s32 s3, s2  }
0x8d: {  	s2 =	sadd.s32 s2, s16  }
0x8e: {  	[smem:$0x3FBA] =	sst s2  }
0x8f: {  	_ = 	snop  }
0x90: {  	(tm) =	ssettm $0x1  }
0x91: {  	s17 =	sld [smem:$0x3FFB];
	_ =	sdelay $0x3  }
0x92: {  	_ =	strace s17  }
0x93: {  	s2 =	sld [smem:$0x3FFC];
	_ =	sdelay $0x3  }
0x94: {  	_ =	strace s2  }
0x95: {  	s2 =	sld [smem:$0x3FFD];
	_ =	sdelay $0x3  }
0x96: {  	_ =	strace s2  }
0x97: {  	_ =	strace $0x8FFFFFFF  }
0x98: {  	s18 =	sld [smem:$0x3FDB];
	_ =	sdelay $0x1  }
0x99: {  	s19 =	simm.s32 $_scs_section_size  }
0x9a: {  	s4 =	simm.s32 $_size__tile_overlayer_lowered;
	s5 =	simm.s32 $_tile_overlayer_lowered  }
0x9b: {  	s22 =	simm.s32 $0x1BFF;
	s21 =	sshll.u32 s5, $0x1;
	s2 =	sadd.s32 s19, s18  }
0x9c: {  	s6 =	simm.s32 $0x0;
	s20 =	sshll.u32 s4, $0x1;
	s4 =	sadd.s32 s21, s2  }
0x9d: {  	[timem:s6], [sflag:s22] =	dma.local [hbm:s4], s20  }
0x9e: {  	_ =	swait.ge [sflag:s22], s20  }
0x9f: {  	s3 =	ssub.s32 $0x0, s20;
	[sflag:s22] =	ssyncset.done $0x0  }
0xa0: {  	[sflag:s22] =	ssyncadd.s32 s3;
	_ =	sdelay $0x1  }
0xa1: {  	s23 =	simm.s32 $0x1B8B  }
0xa2: {  	_ =	swait.ge [sflag:s23], $0x1  }
0xa3: {  	[sflag:s23] =	ssyncset.done $0x0  }
0xa4: {  	s25 =	simm.s32 $0x1B8E;
	s24 =	sld [smem:$0x3FFE];
	[sflag:s23] =	ssyncadd.s32 $0xFFFFFFFF  }
0xa5: {  	s26 =	simm.s32 $execute0_lowered;
	[smem:$0x3FD2] =	sst s25  }
0xa6: {  	s4 =	sshll.u32 s26, $0x1;
	_ =	strace $0x80000049;
	[dreg:$0x1] =	wrdreg $0xFFFFFFFF  }
0xa7: {  	s28 =	simm.s32 $_size_execute0_lowered;
	s2 =	sadd.s32 s2, s4;
	[dreg:$0x0] =	wrdreg $0x0  }
0xa8: {  	s4 =	sshll.u32 s28, $0x1;
	[dreg:$0x2] =	wrdreg s2  }
0xa9: {  	[dreg:$0x3] =	wrdreg s4  }
0xaa: {  	[dreg:$0x4] =	wrdreg $0xC0  }
0xab: {  	_ =	task [dreg:s6], $0x5FFFF  }
0xac: {  	[dreg:$0x1] =	wrdreg $0xFFFFFFFF  }
0xad: {  	[dreg:$0x0] =	wrdreg $0x60  }
0xae: {  	[dreg:$0x2] =	wrdreg s24  }
0xaf: {  	[dreg:$0x3] =	wrdreg $0x9  }
0xb0: {  	_ =	task.clear_ibuf [dreg:s6], $0x4FFFF;
	_ =	strace $0x90000049  }
0xb1: {  	s29 =	simm.s32 $0x9;
	_ =	strace $0x8000004B  }
0xb2: {  	_ =	swait.ge [sflag:s29], $0x1  }
0xb3: {  	[sflag:s29] =	ssyncadd.s32 $0xFFFFFFFF  }
0xb4: {  	_ =	strace $0x9000004B  }
0xb5: {  	_ =	sfence  }
0xb6: {  	s30 =	sld [smem:$0x0];
	_ =	sdelay $0x2  }
0xb7: {  	s31 =	sshll.u32 s1, $0xD;
	s1 =	sshrl.u32 s1, $0x2  }
0xb8: {  	s3 =	sand.u32 $0x4000, s31;
	s1 =	sadd.s32 s1, s30  }
0xb9: {  	s0 =	sor.u32 s3, s0;
	s1 =	sshll.u32 s1, $0x11  }
0xba: {  	s0 =	sor.u32 s1, s0  }
0xbb: {  	s0 =	sadd.s32 $0x8F2B, s0  }
0xbc: {  	[sflag:s0] =	ssyncadd.remote.s32 $0x1  }
0xbd: {  	_ =	sfence.sel $0xFFFF  }
0xbe: {  	[dreg:$0x0] =	wrdreg $0xFFFFFFFF;
	(pc) =	sbr.abs _section_cstart, $3  }
0xbf: {  	[dreg:$0x1] =	wrdreg $0xFFFFFFFF  }
0xc0: {  	_ =	task.clear_ibuf [dreg:s6], $0x2FFFF;
	_ =	strace $0x9FFFFFFF  }
0xc1: {  	(tm) =	ssettm $0x7FFFFFFF  }
tec
execute0_lowered:
.L_overlay_start_1:
0x0: {  	(tag) =	ssettag $0x1  }
0x1: {  	s0 =	stileid.u32  }
0x2: {  	s2 =	srdreg.scid;
	s6 =	rddreg [dreg:$0x0];
	s12 =	simm.s32 $0x1  }
0x3: {  	s13 =	simm.s32 $0xC000;
	s14 =	simm.s32 $0x2;
	s15 =	simm.s32 $0xD410  }
0x4: {  	s16 =	simm.s32 $0xEC20;
	s17 =	simm.s32 $0x0;
	s1 =	sshll.u32 s0, $0x1  }
0x5: {  	s7 =	sshrl.u32 s0, $0x3;
	s8 =	sand.u32 $0x1, s2;
	s2 =	simm.s32 $0x0  }
0x6: {  	s5 =	sadd.s32 $0x4400, s6;
	s1 =	sand.u32 $0xE, s1;
	s3 =	sshll.u32 s7, $0xA  }
0x7: {  	[smem:$0x7FF] =	sst s2;
	s11 =	sshll.u32 s7, $0xE;
	s3 =	sor.u32 s3, s1  }
0x8: {  	s1 =	rddreg [dreg:$0x1];
	s3 =	sor.u32 s8, s3;
	s8 =	ssub.s32 $0x2, s8  }
0x9: {  	_ =	strace $0x8000004A;
	s4 =	sshll.u32 s3, $0xB;
	s10 =	sshrl.u32 s8, $0x1  }
0xa: {  	s9 =	sadd.s32 s4, s6;
	s4 =	sadd.s32 $0x3400, s6;
	s6 =	sadd.s32 $0x6400, s6  }
0xb: {  	v0 =	vimm.s32 $0x0;
	v1 =	vlaneseq.u32;
	s10 =	ssub.s32 s8, s10;
	s7 =	sadd.s32 $0x403400, s9;
	s8 =	sadd.s32 $0x40B400, s9  }
0xc: {  	v2 =	vor.u32 $0x10, v1;
	v3 =	vor.u32 $0x20, v1;
	v4 =	vor.u32 $0x30, v1;
	s9 =	smax.u32 s10, $0x1;
	s10 =	sor.u32 $0x30, s11;
	s11 =	simm.s32 $0x4000  }
.LBB2_1:
0xd: {  	[tilespmem:s2], [sflag:$0x1] =	stream.linear.gather [hbm4b:s7+s2], $0x4000, $0x38;
	[tilespmem:$0x10C30] =	vst v63  }
0xe: {  	s18 =	simm.s32 $0x0;
	s19 =	simm.s32 $0x0  }
0xf: {  	[tilespmem:s11], [sflag:$0x1] =	stream.linear.gather [hbm4b:s8+s2], $0x4000, $0x38;
	[tilespmem:$0x10C30] =	vst v63  }
.LBB2_2:
0x10: {  	s21 =	sadd.s32 $0x2, s19  }
0x11: {  	s20 =	smul.u32 $0xAB, s21;
	_ =	sdelay $0x1  }
0x12: {  	s20 =	sshrl.u32 s20, $0x9  }
0x13: {  	s22 =	smulhi.u32 $0xAAAAAAAB, s19;
	s20 =	sand.u32 $0x7F, s20  }
0x14: {  	_ =	swait.ge [sflag:s12], $0x4000;
	s23 =	smul.u32 $0x3, s20  }
0x15: {  	s25 =	simm.s32 $0x0;
	s24 =	simm.s32 $0x0;
	[sflag:s12] =	ssyncset.done $0x0  }
0x16: {  	s22 =	sshrl.u32 s22, $0x1;
	s31 =	ssub.s32 s21, s23;
	s21 =	smin.u32 s21, $0x3F  }
0x17: {  	v5 =	vmov s18;
	s20 =	smul.u32 $0xFFFD0000, s22;
	s22 =	sand.u32 $0xFF, s31;
	s21 =	sshll.u32 s21, $0xF  }
0x18: {  	[sflag:s12] =	ssyncadd.s32 $0xFFFFC000;
	s22 =	sshll.u32 s22, $0xE;
	s21 =	sadd.s32 s21, s7  }
0x19: {  	[tilespmem:s22], [sflag:$0x1] =	stream.linear.gather [hbm4b:s21+s25], $0x4000, $0x38;
	[tilespmem:$0x10C30] =	vst v63  }
0x1a: {  	s23 =	smov.u32 s10;
	s22 =	smul.u32 $0x50, s19;
	s21 =	smov.u32 s20  }
.LBB2_3:
0x1b: {  	s26 =	sshra.s32 s21, $0x2  }
0x1c: {  	v6 =	vld.idx.msk [tilespmem:v5+s26+$0x0 ss:$0x1], $0xffff  }
0x1d: {  	v7 =	vld.idx.msk [tilespmem:v5+s26+$0x10 ss:$0x1], $0xffff  }
0x1e: {  	v8 =	vld.idx.msk [tilespmem:v5+s26+$0x20 ss:$0x1], $0xffff;
	_ =	sdelay $0x2  }
0x1f: {  	vm1 =	vle.f32 v6, $9.999999770e-03  }
0x20: {  	vm2 =	vle.f32 v7, $9.999999770e-03;
	v6 =	vmpcnt.ones.xlane vm1  }
0x21: {  	vm0 =	vle.f32 v8, $9.999999770e-03;
	v7 =	vmpcnt.ones.xlane vm2  }
0x22: {  	(v2sf) =	vpush v6, $0x0;
	v6 =	vmpcnt.ones.xlane vm0  }
0x23: {  	(v2sf) =	vpush v7, $0x0  }
0x24: {  	(v2sf) =	vpush v6, $0x0;
	v6 =	vld.idx.msk [tilespmem:v5+s26+$0x30 ss:$0x1], $0xffff;
	_ =	sdelay $0x4  }
0x25: {  	vm3 =	vle.f32 v6, $9.999999770e-03  }
0x26: {  	v6 =	vmpcnt.ones.xlane vm3;
	_ =	sdelay $0x1  }
0x27: {  	(v2sf) =	vpush v6, $0x0;
	_ =	sdelay $0x5  }
0x28: {  	v6 =	vsel vm1, $0x1, v0  }
0x29: {  	(xrf0) =	vadd.scan.msk.s32 $0xffff, v6;
	v6 =	vsel vm2, $0x1, v0  }
0x2a: {  	(xrf0) =	vadd.scan.msk.s32 $0xffff, v6;
	v6 =	vsel vm0, $0x1, v0;
	s31 =	spop (v2sf)  }
0x2b: {  	s29 =	sadd.s32 s22, s25;
	(xrf0) =	vadd.scan.msk.s32 $0xffff, v6;
	v6 =	vsel vm3, $0x1, v0;
	s28 =	spop (v2sf);
	s26 =	sadd.s32 s25, s31  }
0x2c: {  	v7 =	vmov s29;
	(xrf0) =	vadd.scan.msk.s32 $0xffff, v6;
	s31 =	spop (v2sf);
	s30 =	sadd.s32 s22, s26;
	s25 =	sadd.s32 s26, s28  }
0x2d: {  	v6 =	vadd.s32 $0xFFFFFFFF, v7;
	v7 =	vmov s30;
	s28 =	sadd.s32 s22, s25;
	s25 =	sadd.s32 s25, s31  }
0x2e: {  	v6 =	vbroadcast v6, $0x0;
	v7 =	vadd.s32 $0xFFFFFFFF, v7;
	v59 =	vmov s28;
	s26 =	sadd.s32 s22, s25  }
0x2f: {  	v9, _, _ =	vpop (xrf0);
	v7 =	vbroadcast v7, $0x0;
	v8 =	vadd.s32 $0xFFFFFFFF, v59;
	v10 =	vmov s26  }
0x30: {  	v11, _, _ =	vpop (xrf0);
	v6 =	vadd.s32 v6, v9;
	v8 =	vbroadcast v8, $0x0;
	v60 =	vadd.s32 $0xFFFFFFFF, v10  }
0x31: {  	v61, _, _ =	vpop (xrf0);
	v6 =	vnsel vm1, $0x1400, v6;
	v7 =	vadd.s32 v11, v7;
	v9 =	vbroadcast v60, $0x0;
	s29 =	spop (v2sf)  }
0x32: {  	p0 =	sgt.u32 s24, $0x3FB;
	v62, _, _ =	vpop (xrf0);
	v7 =	vnsel vm2, $0x1400, v7;
	v8 =	vadd.s32 v61, v8;
	s25 =	sadd.s32 s25, s29  }
0x33: {  	v8 =	vnsel vm0, $0x1400, v8;
	v9 =	vadd.s32 v62, v9;
	p1 =	slt.s32 @!p0 s25, $0x10  }
0x34: {  	s31 =	sadd.s32 $0xFFFFFFD0, s23;
	v9 =	vnsel vm3, $0x1400, v9;
	p0 =	por p0, !p1  }
.Ltmp0:
0x35: {  	s30 =	sadd.s32 $0xFFFFFFE0, s23;
	v63 =	vor.u32 s31, v1;
	(pc) =	sbr.rel @!p0 .LBB2_3-.Ltmp0, $4  }
0x36: {  	s31 =	sadd.s32 $0xFFFFFFF0, s23;
	[tilespmem:v6+s13+$0x0] =	vst.idx.msk $0xffff, v63;
	v6 =	vor.u32 s30, v1  }
0x37: {  	[tilespmem:v7+s13+$0x0] =	vst.idx.msk $0xffff, v6;
	v6 =	vor.u32 s31, v1  }
0x38: {  	[tilespmem:v8+s13+$0x0] =	vst.idx.msk $0xffff, v6;
	v6 =	vor.u32 s23, v1  }
0x39: {  	s24 =	sadd.s32 $0x4, s24;
	s21 =	sadd.s32 $0x100, s21;
	s23 =	sadd.s32 $0x40, s23;
	[tilespmem:v9+s13+$0x0] =	vst.idx.msk $0xffff, v6  }
0x3a: {  	v6 =	vld [tilespmem:s22+$0xC000];
	_ =	sdelay $0x2  }
0x3b: {  	p0 =	slt.s32 s25, $0x10  }
0x3c: {  	s21 =	sshll.u32 s19, $0x4;
	s25 =	simm.s32 @!p0 $0x10  }
0x3d: {  	s21 =	sadd.s32 s3, s21;
	v7 =	vmov s25;
	v8 =	vbroadcast v6, $0x0  }
0x3e: {  	s23 =	sshll.u32 s21, $0x1;
	vm0 =	vgt.s32 v7, v1  }
0x3f: {  	s23 =	sand.u32 $0x1FFFFFFE, s23;
	v6 =	vsel vm0, v6, v8  }
0x40: {  	s24 =	sadd.s32 $0xC000, s22;
	s26 =	simm.s32 $0x0;
	s31 =	sadd.s32 s4, s23;
	[tilespmem:s22+$0xC000] =	vst v6  }
0x41: {  	[hbm4b:s31+s26] =	stream.linear.scatter [tilespmem:s24], [sflag:$0x2], $0x10, $0x38;
	[tilespmem:$0x10C30] =	vst v63  }
0x42: {  	_ =	swait.ge [sflag:s14], $0x10  }
0x43: {  	s25 =	simm.s32 $0x0;
	s23 =	smov.u32 s20;
	[sflag:s14] =	ssyncset.done $0x0  }
0x44: {  	s22 =	smul.u32 $0x60, s19;
	s24 =	smov.u32 s10;
	[sflag:s14] =	ssyncadd.s32 $0xFFFFFFF0  }
.LBB2_5:
0x45: {  	s28 =	sshra.s32 s23, $0x2  }
0x46: {  	v6 =	vld.idx.msk [tilespmem:v5+s28+$0x0 ss:$0x1], $0xffff  }
0x47: {  	v7 =	vld.idx.msk [tilespmem:v5+s28+$0x10 ss:$0x1], $0xffff  }
0x48: {  	v8 =	vld.idx.msk [tilespmem:v5+s28+$0x20 ss:$0x1], $0xffff;
	_ =	sdelay $0x2  }
0x49: {  	vm1 =	vle.f32 v6, $3.999999910e-02  }
0x4a: {  	vm2 =	vle.f32 v7, $3.999999910e-02;
	v6 =	vmpcnt.ones.xlane vm1  }
0x4b: {  	vm0 =	vle.f32 v8, $3.999999910e-02;
	v7 =	vmpcnt.ones.xlane vm2  }
0x4c: {  	(v2sf) =	vpush v6, $0x0;
	v6 =	vmpcnt.ones.xlane vm0  }
0x4d: {  	(v2sf) =	vpush v7, $0x0  }
0x4e: {  	(v2sf) =	vpush v6, $0x0;
	v6 =	vld.idx.msk [tilespmem:v5+s28+$0x30 ss:$0x1], $0xffff;
	_ =	sdelay $0x4  }
0x4f: {  	vm3 =	vle.f32 v6, $3.999999910e-02  }
0x50: {  	v6 =	vmpcnt.ones.xlane vm3;
	_ =	sdelay $0x1  }
0x51: {  	(v2sf) =	vpush v6, $0x0;
	_ =	sdelay $0x5  }
0x52: {  	v6 =	vsel vm1, $0x1, v0  }
0x53: {  	(xrf0) =	vadd.scan.msk.s32 $0xffff, v6;
	v6 =	vsel vm2, $0x1, v0  }
0x54: {  	(xrf0) =	vadd.scan.msk.s32 $0xffff, v6;
	v6 =	vsel vm0, $0x1, v0;
	s31 =	spop (v2sf)  }
0x55: {  	s30 =	sadd.s32 s22, s26;
	(xrf0) =	vadd.scan.msk.s32 $0xffff, v6;
	v6 =	vsel vm3, $0x1, v0;
	s29 =	spop (v2sf);
	s26 =	sadd.s32 s26, s31  }
0x56: {  	v7 =	vmov s30;
	(xrf0) =	vadd.scan.msk.s32 $0xffff, v6;
	s28 =	spop (v2sf);
	s31 =	sadd.s32 s22, s26;
	s26 =	sadd.s32 s26, s29  }
0x57: {  	v6 =	vadd.s32 $0xFFFFFFFF, v7;
	v7 =	vmov s31;
	s29 =	sadd.s32 s22, s26;
	s26 =	sadd.s32 s26, s28  }
0x58: {  	v6 =	vbroadcast v6, $0x0;
	v7 =	vadd.s32 $0xFFFFFFFF, v7;
	v59 =	vmov s29;
	s28 =	sadd.s32 s22, s26  }
0x59: {  	v9, _, _ =	vpop (xrf0);
	v7 =	vbroadcast v7, $0x0;
	v8 =	vadd.s32 $0xFFFFFFFF, v59;
	v10 =	vmov s28  }
0x5a: {  	v11, _, _ =	vpop (xrf0);
	v6 =	vadd.s32 v6, v9;
	v8 =	vbroadcast v8, $0x0;
	v60 =	vadd.s32 $0xFFFFFFFF, v10  }
0x5b: {  	v61, _, _ =	vpop (xrf0);
	v6 =	vnsel vm1, $0x1800, v6;
	v7 =	vadd.s32 v11, v7;
	v9 =	vbroadcast v60, $0x0;
	s29 =	spop (v2sf)  }
0x5c: {  	p0 =	sgt.u32 s25, $0x3FB;
	v62, _, _ =	vpop (xrf0);
	v7 =	vnsel vm2, $0x1800, v7;
	v8 =	vadd.s32 v61, v8;
	s26 =	sadd.s32 s26, s29  }
0x5d: {  	v8 =	vnsel vm0, $0x1800, v8;
	v9 =	vadd.s32 v62, v9;
	p1 =	slt.s32 @!p0 s26, $0x20  }
0x5e: {  	s31 =	sadd.s32 $0xFFFFFFD0, s24;
	v9 =	vnsel vm3, $0x1800, v9;
	p0 =	por p0, !p1  }
.Ltmp1:
0x5f: {  	s30 =	sadd.s32 $0xFFFFFFE0, s24;
	v63 =	vor.u32 s31, v1;
	(pc) =	sbr.rel @!p0 .LBB2_5-.Ltmp1, $4  }
0x60: {  	s31 =	sadd.s32 $0xFFFFFFF0, s24;
	[tilespmem:v6+s15+$0x0] =	vst.idx.msk $0xffff, v63;
	v6 =	vor.u32 s30, v1  }
0x61: {  	[tilespmem:v7+s15+$0x0] =	vst.idx.msk $0xffff, v6;
	v6 =	vor.u32 s31, v1  }
0x62: {  	[tilespmem:v8+s15+$0x0] =	vst.idx.msk $0xffff, v6;
	v6 =	vor.u32 s24, v1  }
0x63: {  	s25 =	sadd.s32 $0x4, s25;
	s23 =	sadd.s32 $0x100, s23;
	s24 =	sadd.s32 $0x40, s24;
	[tilespmem:v9+s15+$0x0] =	vst.idx.msk $0xffff, v6  }
0x64: {  	v6 =	vld [tilespmem:s22+$0xD410];
	_ =	sdelay $0x2  }
0x65: {  	p0 =	slt.s32 s26, $0x20;
	v7 =	vld [tilespmem:s22+$0xD420]  }
0x66: {  	s26 =	simm.s32 @!p0 $0x20  }
0x67: {  	v8 =	vmov s26;
	v9 =	vbroadcast v6, $0x0  }
0x68: {  	vm0 =	vgt.s32 v8, v1  }
0x69: {  	s23 =	sshll.u32 s21, $0x2;
	vm15 =	vgt.s32 v8, v2;
	v6 =	vsel vm0, v6, v9  }
0x6a: {  	s23 =	sand.u32 $0x1FFFFFFC, s23;
	[tilespmem:s22+$0xD410] =	vst v6;
	v6 =	vsel vm15, v7, v9  }
0x6b: {  	s24 =	sadd.s32 $0xD410, s22;
	s25 =	simm.s32 $0x0;
	s31 =	sadd.s32 s5, s23;
	[tilespmem:s22+$0xD420] =	vst v6  }
0x6c: {  	[hbm4b:s31+s25] =	stream.linear.scatter [tilespmem:s24], [sflag:$0x2], $0x20, $0x38;
	[tilespmem:$0x10C30] =	vst v63  }
0x6d: {  	_ =	swait.ge [sflag:s14], $0x20  }
0x6e: {  	s23 =	smov.u32 s10;
	[sflag:s14] =	ssyncset.done $0x0  }
0x6f: {  	s22 =	sshll.u32 s19, $0x7;
	s24 =	simm.s32 $0x0;
	[sflag:s14] =	ssyncadd.s32 $0xFFFFFFE0  }
.LBB2_7:
0x70: {  	s26 =	sshra.s32 s20, $0x2  }
0x71: {  	v6 =	vld.idx.msk [tilespmem:v5+s26+$0x0 ss:$0x1], $0xffff  }
0x72: {  	v7 =	vld.idx.msk [tilespmem:v5+s26+$0x10 ss:$0x1], $0xffff  }
0x73: {  	v8 =	vld.idx.msk [tilespmem:v5+s26+$0x20 ss:$0x1], $0xffff;
	_ =	sdelay $0x2  }
0x74: {  	vm1 =	vle.f32 v6, $1.599999960e-01  }
0x75: {  	vm2 =	vle.f32 v7, $1.599999960e-01;
	v6 =	vmpcnt.ones.xlane vm1  }
0x76: {  	vm0 =	vle.f32 v8, $1.599999960e-01;
	v7 =	vmpcnt.ones.xlane vm2  }
0x77: {  	(v2sf) =	vpush v6, $0x0;
	v6 =	vmpcnt.ones.xlane vm0  }
0x78: {  	(v2sf) =	vpush v7, $0x0  }
0x79: {  	(v2sf) =	vpush v6, $0x0;
	v6 =	vld.idx.msk [tilespmem:v5+s26+$0x30 ss:$0x1], $0xffff;
	_ =	sdelay $0x4  }
0x7a: {  	vm3 =	vle.f32 v6, $1.599999960e-01  }
0x7b: {  	v6 =	vmpcnt.ones.xlane vm3;
	_ =	sdelay $0x1  }
0x7c: {  	(v2sf) =	vpush v6, $0x0;
	_ =	sdelay $0x5  }
0x7d: {  	v6 =	vsel vm1, $0x1, v0  }
0x7e: {  	(xrf0) =	vadd.scan.msk.s32 $0xffff, v6;
	v6 =	vsel vm2, $0x1, v0  }
0x7f: {  	(xrf0) =	vadd.scan.msk.s32 $0xffff, v6;
	v6 =	vsel vm0, $0x1, v0;
	s31 =	spop (v2sf)  }
0x80: {  	s29 =	sadd.s32 s22, s25;
	(xrf0) =	vadd.scan.msk.s32 $0xffff, v6;
	v6 =	vsel vm3, $0x1, v0;
	s28 =	spop (v2sf);
	s26 =	sadd.s32 s25, s31  }
0x81: {  	v7 =	vmov s29;
	(xrf0) =	vadd.scan.msk.s32 $0xffff, v6;
	s31 =	spop (v2sf);
	s30 =	sadd.s32 s22, s26;
	s25 =	sadd.s32 s26, s28  }
0x82: {  	v6 =	vadd.s32 $0xFFFFFFFF, v7;
	v7 =	vmov s30;
	s28 =	sadd.s32 s22, s25;
	s25 =	sadd.s32 s25, s31  }
0x83: {  	v6 =	vbroadcast v6, $0x0;
	v7 =	vadd.s32 $0xFFFFFFFF, v7;
	v59 =	vmov s28;
	s26 =	sadd.s32 s22, s25  }
0x84: {  	v9, _, _ =	vpop (xrf0);
	v7 =	vbroadcast v7, $0x0;
	v8 =	vadd.s32 $0xFFFFFFFF, v59;
	v10 =	vmov s26  }
0x85: {  	v11, _, _ =	vpop (xrf0);
	v6 =	vadd.s32 v6, v9;
	v8 =	vbroadcast v8, $0x0;
	v60 =	vadd.s32 $0xFFFFFFFF, v10  }
0x86: {  	v61, _, _ =	vpop (xrf0);
	v6 =	vnsel vm1, $0x2000, v6;
	v7 =	vadd.s32 v11, v7;
	v9 =	vbroadcast v60, $0x0;
	s29 =	spop (v2sf)  }
0x87: {  	p0 =	sgt.u32 s24, $0x3FB;
	v62, _, _ =	vpop (xrf0);
	v7 =	vnsel vm2, $0x2000, v7;
	v8 =	vadd.s32 v61, v8;
	s25 =	sadd.s32 s25, s29  }
0x88: {  	v8 =	vnsel vm0, $0x2000, v8;
	v9 =	vadd.s32 v62, v9;
	p1 =	slt.s32 @!p0 s25, $0x40  }
0x89: {  	s31 =	sadd.s32 $0xFFFFFFD0, s23;
	v9 =	vnsel vm3, $0x2000, v9;
	p0 =	por p0, !p1  }
.Ltmp2:
0x8a: {  	s30 =	sadd.s32 $0xFFFFFFE0, s23;
	v63 =	vor.u32 s31, v1;
	(pc) =	sbr.rel @!p0 .LBB2_7-.Ltmp2, $4  }
0x8b: {  	s31 =	sadd.s32 $0xFFFFFFF0, s23;
	[tilespmem:v6+s16+$0x0] =	vst.idx.msk $0xffff, v63;
	v6 =	vor.u32 s30, v1  }
0x8c: {  	[tilespmem:v7+s16+$0x0] =	vst.idx.msk $0xffff, v6;
	v6 =	vor.u32 s31, v1  }
0x8d: {  	[tilespmem:v8+s16+$0x0] =	vst.idx.msk $0xffff, v6;
	v6 =	vor.u32 s23, v1  }
0x8e: {  	s24 =	sadd.s32 $0x4, s24;
	s20 =	sadd.s32 $0x100, s20;
	s23 =	sadd.s32 $0x40, s23;
	[tilespmem:v9+s16+$0x0] =	vst.idx.msk $0xffff, v6  }
0x8f: {  	v5 =	vld [tilespmem:s22+$0xEC20];
	_ =	sdelay $0x2  }
0x90: {  	p0 =	slt.s32 s25, $0x40;
	v6 =	vld [tilespmem:s22+$0xEC30]  }
0x91: {  	v7 =	vld [tilespmem:s22+$0xEC40];
	s25 =	simm.s32 @!p0 $0x40  }
0x92: {  	v10 =	vld [tilespmem:s22+$0xEC50];
	v8 =	vmov s25;
	v9 =	vbroadcast v5, $0x0  }
0x93: {  	vm0 =	vgt.s32 v8, v1  }
0x94: {  	vm13 =	vgt.s32 v8, v2;
	v5 =	vsel vm0, v5, v9  }
0x95: {  	vm14 =	vgt.s32 v8, v3;
	[tilespmem:s22+$0xEC20] =	vst v5;
	v5 =	vsel vm13, v6, v9  }
0x96: {  	s20 =	sshll.u32 s21, $0x3;
	s19 =	sadd.s32 $0x1, s19;
	vm15 =	vgt.s32 v8, v4;
	[tilespmem:s22+$0xEC30] =	vst v5;
	v5 =	vsel vm14, v7, v9  }
0x97: {  	s20 =	sand.u32 $0x1FFFFFF8, s20;
	p0 =	sne.s32 s19, $0x40;
	[tilespmem:s22+$0xEC40] =	vst v5;
	v5 =	vsel vm15, v10, v9  }
.Ltmp3:
0x98: {  	s31 =	sadd.s32 $0xEC20, s22;
	s20 =	sadd.s32 s6, s20;
	[tilespmem:s22+$0xEC50] =	vst v5;
	(pc) =	sbr.rel @p0 .LBB2_2-.Ltmp3, $4  }
0x99: {  	[hbm4b:s20+s2] =	stream.linear.scatter [tilespmem:s31], [sflag:$0x2], $0x40, $0x38;
	[tilespmem:$0x10C30] =	vst v63  }
0x9a: {  	_ =	swait.ge [sflag:s14], $0x40  }
0x9b: {  	[sflag:s14] =	ssyncset.done $0x0  }
0x9c: {  	s18 =	sadd.s32 $0x4000, s18;
	[sflag:s14] =	ssyncadd.s32 $0xFFFFFFC0  }
0x9d: {  	s17 =	sadd.s32 $0x1, s17  }
0x9e: {  	_ =	swait.ge [sflag:s12], $0x4000;
	p0 =	sne.s32 s17, s9  }
.Ltmp4:
0x9f: {  	[sflag:s12] =	ssyncset.done $0x0;
	(pc) =	sbr.rel @p0 .LBB2_1-.Ltmp4, $4  }
0xa0: {  	[sflag:s12] =	ssyncadd.s32 $0xFFFFC000  }
0xa1: {  	_ =	swait.ge [sflag:s12], $0x4000  }
0xa2: {  	[sflag:s12] =	ssyncset.done $0x0  }
0xa3: {  	[sflag:s12] =	ssyncadd.s32 $0xFFFFC000  }
0xa4: {  	_ =	sfence.sel $0x180000  }
0xa5: {  	[bflag:$0x0] =	sbarrier.arrive $0xFFFF  }
0xa6: {  	p0 =	sne.s32 s0, $0x0;
	_ =	strace $0x9000004A  }
0xa7: {  	s0 =	sadd.s32 @!p0 $0x100000, s1;
	[bflag:$0x2] =	sbarrier.arrive $0xFFFF  }
0xa8: {  	[sflag:s0] =	ssyncadd.tile.s32 @!p0 $0x1;
	_ =	shalt  }
.Lfunc_end2:
_tile_overlayer_lowered:
.L_overlay_start_2:
0xa9: {  	(tag) =	ssettag $0x2  }
0xaa: {  	s0 =	rddreg [dreg:$0x0];
	s2 =	stileid.u32  }
0xab: {  	s1 =	rddreg [dreg:$0x1];
	p0 =	sne.s32 s2, $0x0  }
0xac: {  	s3 =	rddreg [dreg:$0x2];
	[bflag:$0x3] =	sbarrier.arrive $0xFFFF;
	s2 =	simm.s32 @!p0 $0x1C02  }
0xad: {  	[timem:s3], [sflag:s2] =	dma.local @!p0 [hbm:s0], s1  }
0xae: {  	s0 =	simm.s32 @!p0 $0x2  }
0xaf: {  	_ =	swait.ge @!p0 [sflag:s0], s1  }
0xb0: {  	s1 =	ssub.s32 @!p0 $0x0, s1;
	[sflag:s0] =	ssyncset.done @!p0 $0x0  }
0xb1: {  	[sflag:s0] =	ssyncadd.s32 @!p0 s1  }
0xb2: {  	[bflag:$0x3] =	sbarrier.arrive $0xFFFF  }
0xb3: {  	_ =	shalt  }

// kernel: sparse-core-data-format-call.cloned.1.call-start
scs
called_computation_lowered:
.L_overlay_start_0:
0x0: {  	s1 =	sld [smem:$0x3FD9]  }
0x1: {  	s2 =	sld [smem:$0x3FFE];
	_ =	sdelay $0x1  }
0x2: {  	s3 =	srdreg.scid  }
0x3: {  	s0 =	sand.u32 $0x1, s3  }
0x4: {  	s17 =	sshll.u32 s0, $0xA;
	s1 =	sadd.s32 s2, s1  }
0x5: {  	s1 =	sadd.s32 s1, s17  }
0x6: {  	[smem:$0x3FBA] =	sst s1  }
0x7: {  	_ = 	snop  }
0x8: {  	(tm) =	ssettm $0x1  }
0x9: {  	s18 =	sld [smem:$0x3FFB];
	_ =	sdelay $0x3  }
0xa: {  	_ =	strace s18  }
0xb: {  	s1 =	sld [smem:$0x3FFC];
	_ =	sdelay $0x3  }
0xc: {  	_ =	strace s1  }
0xd: {  	s1 =	sld [smem:$0x3FFD];
	_ =	sdelay $0x3  }
0xe: {  	_ =	strace s1  }
0xf: {  	_ =	strace $0x8FFFFFFF  }
0x10: {  	s19 =	sld [smem:$0x3FDB];
	_ =	sdelay $0x1  }
0x11: {  	s20 =	simm.s32 $_scs_section_size  }
0x12: {  	s4 =	simm.s32 $_size__tile_overlayer_lowered;
	s5 =	simm.s32 $_tile_overlayer_lowered  }
0x13: {  	s23 =	simm.s32 $0x1BFF;
	s22 =	sshll.u32 s5, $0x1;
	s1 =	sadd.s32 s20, s19  }
0x14: {  	s6 =	simm.s32 $0x0;
	s21 =	sshll.u32 s4, $0x1;
	s4 =	sadd.s32 s22, s1  }
0x15: {  	[timem:s6], [sflag:s23] =	dma.local [hbm:s4], s21  }
0x16: {  	_ =	swait.ge [sflag:s23], s21  }
0x17: {  	s2 =	ssub.s32 $0x0, s21;
	[sflag:s23] =	ssyncset.done $0x0  }
0x18: {  	[sflag:s23] =	ssyncadd.s32 s2;
	_ =	sdelay $0x1  }
0x19: {  	s24 =	simm.s32 $0x1B8B  }
0x1a: {  	_ =	swait.ge [sflag:s24], $0x1  }
0x1b: {  	[sflag:s24] =	ssyncset.done $0x0  }
0x1c: {  	s26 =	simm.s32 $0x1B8E;
	s25 =	sld [smem:$0x3FFE];
	[sflag:s24] =	ssyncadd.s32 $0xFFFFFFFF  }
0x1d: {  	s27 =	simm.s32 $execute0_lowered;
	[smem:$0x3FD2] =	sst s26  }
0x1e: {  	s4 =	sshll.u32 s27, $0x1;
	_ =	strace $0x80000046;
	[dreg:$0x1] =	wrdreg $0xFFFFFFFF  }
0x1f: {  	s28 =	simm.s32 $_size_execute0_lowered;
	s1 =	sadd.s32 s1, s4;
	[dreg:$0x0] =	wrdreg $0x0  }
0x20: {  	s4 =	sshll.u32 s28, $0x1;
	[dreg:$0x2] =	wrdreg s1  }
0x21: {  	[dreg:$0x3] =	wrdreg s4  }
0x22: {  	[dreg:$0x4] =	wrdreg $0xC0  }
0x23: {  	_ =	task [dreg:s6], $0x5FFFF  }
0x24: {  	[dreg:$0x1] =	wrdreg $0xFFFFFFFF  }
0x25: {  	[dreg:$0x0] =	wrdreg $0x60  }
0x26: {  	[dreg:$0x2] =	wrdreg s25  }
0x27: {  	[dreg:$0x3] =	wrdreg $0x9  }
0x28: {  	_ =	task.clear_ibuf [dreg:s6], $0x4FFFF;
	_ =	strace $0x90000046  }
0x29: {  	s29 =	simm.s32 $0x9;
	_ =	strace $0x80000048  }
0x2a: {  	_ =	swait.ge [sflag:s29], $0x1  }
0x2b: {  	[sflag:s29] =	ssyncadd.s32 $0xFFFFFFFF  }
0x2c: {  	_ =	strace $0x90000048  }
0x2d: {  	_ =	sfence  }
0x2e: {  	s30 =	sld [smem:$0x0];
	_ =	sdelay $0x2  }
0x2f: {  	s31 =	sshll.u32 s3, $0xD;
	s3 =	sshrl.u32 s3, $0x2  }
0x30: {  	s2 =	sand.u32 $0x4000, s31;
	s1 =	sadd.s32 s3, s30  }
0x31: {  	s0 =	sor.u32 s2, s0;
	s1 =	sshll.u32 s1, $0x11  }
0x32: {  	s0 =	sor.u32 s1, s0  }
0x33: {  	s0 =	sadd.s32 $0x8F2B, s0  }
0x34: {  	[sflag:s0] =	ssyncadd.remote.s32 $0x1  }
0x35: {  	_ =	sfence.sel $0xFFFF  }
0x36: {  	[dreg:$0x0] =	wrdreg $0xFFFFFFFF;
	(pc) =	sbr.abs _section_cstart, $3  }
0x37: {  	[dreg:$0x1] =	wrdreg $0xFFFFFFFF  }
0x38: {  	_ =	task.clear_ibuf [dreg:s6], $0x2FFFF;
	_ =	strace $0x9FFFFFFF  }
0x39: {  	(tm) =	ssettm $0x7FFFFFFF  }
tec
execute0_lowered:
.L_overlay_start_1:
0x0: {  	(tag) =	ssettag $0x1  }
0x1: {  	s1 =	rddreg [dreg:$0x0]  }
0x2: {  	s0 =	rddreg [dreg:$0x1]  }
0x3: {  	_ =	strace $0x80000047;
	s4 =	srdreg.scid;
	s6 =	simm.s32 $0x2  }
0x4: {  	s11 =	simm.s32 $0x0;
	p0 =	por $0x0, $0x0;
	s7 =	simm.s32 $0x4000  }
.Ltmp0:
0x5: {  	s12 =	simm.s32 $0x0;
	s9 =	simm.s32 $0x0;
	(pc) =	sbr.rel .LBB1_1-.Ltmp0, $4  }
0x6: {  	s2 =	sadd.s32 $0x3400, s1;
	s3 =	sadd.s32 $0x403400, s1;
	s5 =	sshll.u32 s4, $0x4  }
0x7: {  	s1 =	stileid.u32;
	s4 =	simm.s32 $0x1;
	s5 =	sand.u32 $0x10, s5  }
0x8: {  	s8 =	simm.s32 $0x0;
	[sflag:s4] =	ssyncpa.u1 $0x0;
	s5 =	sor.u32 s1, s5  }
0x9: {  	[sflag:s6] =	ssyncpa.u1 $0x0;
	s6 =	simm.s32 $0x800;
	s10 =	smov.u32 s5  }
.LBB1_7:
0xa: {  	s13 =	sadd.s32 $0x10, s9  }
0xb: {  	s11 =	sadd.s32 $0x20, s10;
	s15 =	smov.u32 s10;
	p2 =	sgt.s32 s13, $0x7F  }
0xc: {  	p1 =	slt.u32 s8, $0x2;
	s15 =	smov.u32 @p2 s11  }
0xd: {  	s8 =	sadd.s32 $0x1, s8;
	s13 =	simm.s32 @p2 $0x0;
	p2 =	sgt.s32 s15, $0xFF  }
0xe: {  	s15 =	smov.u32 @p2 s5;
	p2 =	sne.s32 s8, $0x42  }
.Ltmp1:
0xf: {  	_ = 	snop;
	(pc) =	sbr.rel @!p2 .LBB1_8-.Ltmp1, $4  }
0x10: {  	s14 =	simm.s32 @!p1 $0x2  }
0x11: {  	s12 =	smov.u32 s10;
	_ =	swait.ge @!p1 [sflag:s14], $0x4000  }
0x12: {  	p0 =	por !p0, !p0;
	s11 =	smov.u32 s9;
	[sflag:s14] =	ssyncset.done @!p1 $0x0  }
0x13: {  	s9 =	smov.u32 s13;
	[sflag:s14] =	ssyncadd.s32 @!p1 $0xFFFFC000;
	s10 =	smov.u32 s15  }
.LBB1_1:
0x14: {  	p1 =	sgt.u32 s8, $0x3F  }
0x15: {  	s13 =	sxor.u32 @!p1 $0xFFFFFFFF, s8;
	s14 =	sshll.u32 @!p1 s10, $0xE  }
0x16: {  	s15 =	sshll.u32 @!p1 s9, $0x7;
	s13 =	sshll.u32 @!p1 s13, $0xE;
	s14 =	sadd.s32 @!p1 s2, s14  }
0x17: {  	s13 =	sand.u32 @!p1 $0x4000, s13;
	s14 =	sadd.s32 @!p1 s15, s14;
	s15 =	simm.s32 @!p1 $0x0  }
0x18: {  	[tilespmem:s13], [sflag:$0x1] =	stream.linear.gather @!p1 [hbm4b:s14+s15], $0x4000, $0x38;
	[tilespmem:$0x10000] =	vst v63  }
0x19: {  	p1 =	seq.s32 s8, $0x0  }
0x1a: {  	p2 =	seq.s32 @!p1 s8, $0x41  }
0x1b: {  	p1 =	por p1, p2  }
.Ltmp2:
0x1c: {  	_ = 	snop;
	(pc) =	sbr.rel @p1 .LBB1_7-.Ltmp2, $1  }
0x1d: {  	_ =	sdelay $0x3  }
0x1e: {  	s13 =	simm.s32 $0x1;
	_ =	swait.ge [sflag:s4], $0x4000;
	s16 =	sshll.u32 s8, $0xE  }
0x1f: {  	s13 =	simm.s32 @!p0 $0x0;
	[sflag:s4] =	ssyncset.done $0x0;
	s31 =	sand.u32 $0x4000, s16  }
0x20: {  	s16 =	simm.s32 $0x0;
	s14 =	sshll.u32 s13, $0xE;
	[sflag:s4] =	ssyncadd.s32 $0xFFFFC000  }
0x21: {  	s13 =	sor.u32 $0x8040, s14;
	s15 =	sor.u32 $0x40, s14;
	s14 =	sor.u32 $0x8000, s31  }
.LBB1_3:
0x22: {  	v0 =	vmov s15;
	_ =	sdelay $0x3  }
0x23: {  	s18 =	simm.s32 $0x0  }
0x24: {  	v6 =	vld.idx.msk [tilespmem:v0+s18+$0x30 ss:$0x1], $0xffff  }
0x25: {  	v7 =	vld.idx.msk [tilespmem:v0+s18+$0xFFFFFFC0 ss:$0x1], $0xffff  }
0x26: {  	v5 =	vld.idx.msk [tilespmem:v0+s18+$0xFFFFFFD0 ss:$0x1], $0xffff  }
0x27: {  	v4 =	vld.idx.msk [tilespmem:v0+s18+$0xFFFFFFE0 ss:$0x1], $0xffff  }
0x28: {  	v3 =	vld.idx.msk [tilespmem:v0+s18+$0xFFFFFFF0 ss:$0x1], $0xffff  }
0x29: {  	v1 =	vld.idx.msk [tilespmem:v0+s18+$0x0 ss:$0x1], $0xffff  }
0x2a: {  	v2 =	vld.idx.msk [tilespmem:v0+s18+$0x10 ss:$0x1], $0xffff;
	[tilespmem:s13+$0x30] =	vst v6  }
0x2b: {  	s17 =	simm.s32 $0x80;
	s19 =	simm.s32 $0x400;
	[tilespmem:s13+$0xFFFFFFC0] =	vst v7;
	v6 =	vld.idx.msk [tilespmem:v0+s18+$0x20 ss:$0x1], $0xffff;
	s18 =	smov.u32 s13  }
.LBB1_4:
0x2c: {  	p1 =	sne.s32 s19, $0xE00;
	v7 =	vld.idx.msk [tilespmem:v0+s17+$0x30 ss:$0x1], $0xffff;
	[tilespmem:s18+$0xFFFFFFD0] =	vst v5  }
0x2d: {  	v8 =	vld.idx.msk [tilespmem:v0+s17+$0xFFFFFFC0 ss:$0x1], $0xffff;
	[tilespmem:s18+$0xFFFFFFE0] =	vst v4  }
0x2e: {  	v5 =	vld.idx.msk [tilespmem:v0+s17+$0xFFFFFFD0 ss:$0x1], $0xffff;
	[tilespmem:s18+$0xFFFFFFF0] =	vst v3  }
.Ltmp3:
0x2f: {  	v4 =	vld.idx.msk [tilespmem:v0+s17+$0xFFFFFFE0 ss:$0x1], $0xffff;
	[tilespmem:s18+$0x0] =	vst v1;
	(pc) =	sbr.rel @p1 .LBB1_4-.Ltmp3, $4  }
0x30: {  	v3 =	vld.idx.msk [tilespmem:v0+s17+$0xFFFFFFF0 ss:$0x1], $0xffff;
	[tilespmem:s18+$0x10] =	vst v2  }
0x31: {  	v1 =	vld.idx.msk [tilespmem:v0+s17+$0x0 ss:$0x1], $0xffff;
	[tilespmem:s18+$0x20] =	vst v6;
	s18 =	sadd.s32 $0x800, s18  }
0x32: {  	v2 =	vld.idx.msk [tilespmem:v0+s17+$0x10 ss:$0x1], $0xffff;
	[tilespmem:s18+$0x30] =	vst v7  }
0x33: {  	[tilespmem:s18+$0xFFFFFFC0] =	vst v8;
	v6 =	vld.idx.msk [tilespmem:v0+s17+$0x20 ss:$0x1], $0xffff;
	s17 =	sshra.s32 s19, $0x2;
	s19 =	sadd.s32 $0x200, s19  }
0x34: {  	_ =	sdelay $0x2  }
0x35: {  	[tilespmem:s18+$0xFFFFFFD0] =	vst v5  }
0x36: {  	v56 =	vld.idx.msk [tilespmem:v0+s17+$0x30 ss:$0x1], $0xffff;
	[tilespmem:s18+$0xFFFFFFE0] =	vst v4  }
0x37: {  	v57 =	vld.idx.msk [tilespmem:v0+s17+$0xFFFFFFC0 ss:$0x1], $0xffff;
	[tilespmem:s18+$0xFFFFFFF0] =	vst v3  }
0x38: {  	v58 =	vld.idx.msk [tilespmem:v0+s17+$0xFFFFFFD0 ss:$0x1], $0xffff;
	[tilespmem:s18+$0x0] =	vst v1  }
0x39: {  	v59 =	vld.idx.msk [tilespmem:v0+s17+$0xFFFFFFE0 ss:$0x1], $0xffff;
	[tilespmem:s18+$0x10] =	vst v2  }
0x3a: {  	v60 =	vld.idx.msk [tilespmem:v0+s17+$0xFFFFFFF0 ss:$0x1], $0xffff;
	s31 =	sadd.s32 $0x800, s18;
	[tilespmem:s18+$0x20] =	vst v6  }
0x3b: {  	v61 =	vld.idx.msk [tilespmem:v0+s17+$0x0 ss:$0x1], $0xffff;
	[tilespmem:s31+$0x30] =	vst v56  }
0x3c: {  	v62 =	vld.idx.msk [tilespmem:v0+s17+$0x10 ss:$0x1], $0xffff;
	s16 =	sadd.s32 $0x1, s16;
	[tilespmem:s31+$0xFFFFFFC0] =	vst v57  }
0x3d: {  	v63 =	vld.idx.msk [tilespmem:v0+s17+$0x20 ss:$0x1], $0xffff;
	p1 =	sne.s32 s16, $0x10;
	[tilespmem:s31+$0xFFFFFFD0] =	vst v58  }
.Ltmp4:
0x3e: {  	[tilespmem:s31+$0xFFFFFFE0] =	vst v59;
	(pc) =	sbr.rel @p1 .LBB1_3-.Ltmp4, $4  }
0x3f: {  	[tilespmem:s31+$0xFFFFFFF0] =	vst v60  }
0x40: {  	[tilespmem:s31+$0x0] =	vst v61  }
0x41: {  	[tilespmem:s31+$0x10] =	vst v62  }
0x42: {  	s13 =	sadd.s32 $0x80, s13;
	s15 =	sadd.s32 $0x400, s15;
	[tilespmem:s31+$0x20] =	vst v63  }
.Ltmp5:
0x43: {  	(pc) =	sbr.rel .LBB1_7-.Ltmp5, $4  }
0x44: {  	s12 =	sshll.u32 s12, $0xE;
	s11 =	sshll.u32 s11, $0x4  }
0x45: {  	s11 =	sand.u32 $0x7F0, s11;
	s12 =	sadd.s32 s3, s12  }
0x46: {  	s11 =	sadd.s32 s11, s12  }
0x47: {  	[hbm4b:s11+s6] =	stream.strided.scatter [tilespmem:s14], [sflag:$0x2], $0x4000, s7, s6, $0x38;
	[tilespmem:$0x10000] =	vst v63  }
.LBB1_8:
0x48: {  	_ =	sfence.sel $0x180000  }
0x49: {  	s2 =	simm.s32 $0x1;
	[bflag:$0x0] =	sbarrier.arrive $0xFFFF  }
0x4a: {  	s31 =	simm.s32 $0x2;
	[sflag:s2] =	ssyncpa.u1 $0x1  }
0x4b: {  	[sflag:s31] =	ssyncpa.u1 $0x1  }
0x4c: {  	p0 =	sne.s32 s1, $0x0;
	_ =	strace $0x90000047  }
0x4d: {  	s0 =	sadd.s32 @!p0 $0x100000, s0;
	[bflag:$0x2] =	sbarrier.arrive $0xFFFF  }
0x4e: {  	[sflag:s0] =	ssyncadd.tile.s32 @!p0 $0x1;
	_ =	shalt  }
.Lfunc_end1:
_tile_overlayer_lowered:
.L_overlay_start_2:
0x4f: {  	(tag) =	ssettag $0x2  }
0x50: {  	s0 =	rddreg [dreg:$0x0];
	s2 =	stileid.u32  }
0x51: {  	s1 =	rddreg [dreg:$0x1];
	p0 =	sne.s32 s2, $0x0  }
0x52: {  	s3 =	rddreg [dreg:$0x2];
	[bflag:$0x3] =	sbarrier.arrive $0xFFFF;
	s2 =	simm.s32 @!p0 $0x1C01  }
0x53: {  	[timem:s3], [sflag:s2] =	dma.local @!p0 [hbm:s0], s1  }
0x54: {  	s0 =	simm.s32 @!p0 $0x1  }
0x55: {  	_ =	swait.ge @!p0 [sflag:s0], s1  }
0x56: {  	s1 =	ssub.s32 @!p0 $0x0, s1;
	[sflag:s0] =	ssyncset.done @!p0 $0x0  }
0x57: {  	[sflag:s0] =	ssyncadd.s32 @!p0 s1  }
0x58: {  	[bflag:$0x3] =	sbarrier.arrive $0xFFFF  }
0x59: {  	_ =	shalt  }

</sc_bundles>
